<compile_context>
chip_gen: v7x
topology: tpu7x:2x2x1
jax: 0.10.2.dev20260603
libtpu: 0.0.44.dev20260713+nightly
codegen_flags: <defaults>
</compile_context>

<pallas_src>
import math

import jax
import jax.numpy as jnp
from jax import lax
from jax.experimental import pallas as pl

_NUM_EXPERTS = 64
_ROUTER_TEMP = 1.5
_LOAD_FACTOR = 0.02
_CAP_FACTOR_EVAL = 1.5

_KEY_BASE = 0x3C7F0000
_KEY_STRIDE = 0x03010001

_NROW = 32
_TB = 128


def _router_body(ks_ref, ksT_ref, ethr_ref, e_ref, val_ref,
                 comb_ref, ft_ref):
    step = pl.program_id(0)
    e_dim, ccap, tb = comb_ref.shape

    lane_i = lax.broadcasted_iota(jnp.int32, (1, 128), 1)
    sub_j = lax.broadcasted_iota(jnp.int32, (128, 1), 0)
    ki = ks_ref[step, :].reshape(1, 128)
    ethr_i = ethr_ref[step, :].reshape(1, 128)
    i_glob = step * 128 + lane_i
    acc = jnp.zeros((128, 128), jnp.int32)
    for jc in range(_NROW):
        kj = ksT_ref[:, jc].reshape(128, 1)
        j_glob = jc * 128 + sub_j
        gt = kj > ki
        eq = (kj == ki) & (j_glob < i_glob)
        ge = kj >= ethr_i
        acc = acc + (gt | eq).astype(jnp.int32) - ge.astype(jnp.int32)
    rank = jnp.sum(acc, axis=0, keepdims=True)
    e_row = e_ref[step, :].reshape(1, 128)
    ft_row = jnp.where(rank < ccap, e_row * ccap + rank,
                       jnp.int32(-1)).reshape(1, 1, tb)
    ft_ref[...] = ft_row
    val_row = val_ref[step, :].reshape(1, 1, tb)
    flat = (
        lax.broadcasted_iota(jnp.int32, (e_dim, ccap, 1), 0) * ccap
        + lax.broadcasted_iota(jnp.int32, (e_dim, ccap, 1), 1)
    )
    pred = flat == ft_row
    comb_ref[...] = jnp.where(pred, val_row, jnp.zeros((), jnp.float32))


def kernel(X, W_gate):
    N = X.shape[0]
    E = _NUM_EXPERTS
    Ccap = max(1, math.ceil(_CAP_FACTOR_EVAL * N / E))

    pooled = jnp.mean(X, axis=(2, 3))
    logits = pooled @ W_gate
    z_loss = jnp.mean(jax.scipy.special.logsumexp(logits, axis=-1))
    probs = jax.nn.softmax(logits.astype(jnp.float32) / _ROUTER_TEMP, axis=1)
    expert_idx = jnp.argmax(probs, axis=1)
    expert_prob = jnp.take_along_axis(probs, expert_idx[:, None], axis=1)[:, 0]
    expert_mask = jax.nn.one_hot(expert_idx, E, dtype=probs.dtype)
    f_load = jnp.mean(expert_mask, axis=0)
    p_mean = jnp.mean(probs, axis=0)
    aux_loss = jnp.sum(f_load * p_mean) * E * _LOAD_FACTOR

    e32 = expert_idx.astype(jnp.int32)
    m = lax.bitcast_convert_type(expert_prob, jnp.int32)
    ku = (e32.astype(jnp.uint32) * jnp.uint32(_KEY_STRIDE)
          + (m - _KEY_BASE).astype(jnp.uint32))
    ks = lax.bitcast_convert_type(ku ^ jnp.uint32(0x80000000), jnp.int32)
    ethr_u = (e32 + 1).astype(jnp.uint32) * jnp.uint32(_KEY_STRIDE)
    ethr = lax.bitcast_convert_type(ethr_u ^ jnp.uint32(0x80000000), jnp.int32)

    ks2d = ks.reshape(_NROW, 128)
    comb_t, ft_out = pl.pallas_call(
        _router_body,
        grid=(N // _TB,),
        in_specs=[
            pl.BlockSpec((_NROW, 128), lambda i: (0, 0)),
            pl.BlockSpec((128, _NROW), lambda i: (0, 0)),
            pl.BlockSpec((_NROW, 128), lambda i: (0, 0)),
            pl.BlockSpec((_NROW, 128), lambda i: (0, 0)),
            pl.BlockSpec((_NROW, 128), lambda i: (0, 0)),
        ],
        out_specs=[
            pl.BlockSpec((E, Ccap, _TB), lambda i: (0, 0, i)),
            pl.BlockSpec((1, 1, _TB), lambda i: (i, 0, 0)),
        ],
        out_shape=[
            jax.ShapeDtypeStruct((E, Ccap, N), jnp.float32),
            jax.ShapeDtypeStruct((_NROW, 1, _TB), jnp.int32),
        ],
    )(ks2d, ks2d.T, ethr.reshape(_NROW, 128), e32.reshape(_NROW, 128),
      expert_prob.reshape(_NROW, 128))

    comb = jnp.transpose(comb_t, (2, 0, 1))
    flat_ec = (jnp.arange(E * Ccap, dtype=jnp.int32)
               .reshape(E, Ccap, 1))
    disp_t = flat_ec == ft_out.reshape(1, 1, N)
    disp = jnp.transpose(disp_t, (2, 0, 1))
    return (disp, comb, z_loss, aux_loss)

# --- scband reference (transcript-rebuilt; emitter-appended) ---
"""Pipeline reference for scband-router-59416577573251 (READ-ONLY COPY).

The authoritative reference and input builder live on the scoring server;
editing this copy changes nothing except your own understanding.
"""

import math
import jax, jax.numpy as jnp
import numpy as np

NUM_EXPERTS = 64
ROUTER_TEMP = 1.5
LOAD_FACTOR = 0.02
CAP_FACTOR_EVAL = 1.5


def setup_inputs(seed: int = 0) -> dict:
    key = jax.random.key(seed)
    k1, k2 = jax.random.split(key)
    X = jax.random.normal(k1, (4096, 192, 7, 7), dtype=jnp.float32)
    W_gate = jax.random.normal(k2, (192, NUM_EXPERTS), dtype=jnp.float32) * 0.02
    return {"X": X, "W_gate": W_gate}


def reference(X, W_gate):
    # router_gate: global-average-pool over spatial dims + linear projection -> logits [N, E]
    N = X.shape[0]
    E = NUM_EXPERTS
    pooled = jnp.mean(X, axis=(2, 3))              # [N, C]
    logits = pooled @ W_gate                        # [N, E]
    # z loss
    z_loss = jnp.mean(jax.scipy.special.logsumexp(logits, axis=-1))
    # eval mode: no noise
    probs = jax.nn.softmax(logits.astype(jnp.float32) / ROUTER_TEMP, axis=1)
    expert_idx = jnp.argmax(probs, axis=1)                                   # [N]
    expert_prob = jnp.take_along_axis(probs, expert_idx[:, None], axis=1)[:, 0]  # [N]
    expert_mask = jax.nn.one_hot(expert_idx, E, dtype=probs.dtype)           # [N, E]
    # aux (load-balance) loss
    f = jnp.mean(expert_mask, axis=0)
    p = jnp.mean(probs, axis=0)
    aux_loss = jnp.sum(f * p) * E * LOAD_FACTOR
    # capacity
    Ccap = max(1, math.ceil(CAP_FACTOR_EVAL * N / E))
    # sort tokens by gate prob (descending)
    order = jnp.argsort(-expert_prob)                                        # [N]
    mask_sorted = expert_mask[order]                                         # [N, E]
    pos_sorted = jnp.cumsum(mask_sorted, axis=0) - 1.0                       # [N, E]
    within_capacity = (pos_sorted < Ccap).astype(probs.dtype)
    mask_sorted = mask_sorted * within_capacity
    unsort = jnp.zeros_like(order).at[order].set(jnp.arange(N))
    mask = mask_sorted[unsort]                                               # [N, E]
    gate = expert_prob * jnp.sum(mask, axis=-1)                              # [N]
    pos_idx = jnp.clip(pos_sorted, 0, Ccap - 1).astype(jnp.int32)[unsort]    # [N, E]
    one_hot_pos = jax.nn.one_hot(pos_idx, Ccap, dtype=probs.dtype)           # [N, E, Ccap]
    combine = (gate[:, None, None] * mask[:, :, None] * one_hot_pos).astype(X.dtype)
    dispatch = combine > 0
    return (dispatch, combine, z_loss, aux_loss)

if __name__ == "__main__":
    import jax
    _d = setup_inputs()
    print(jax.jit(kernel)(*tuple(_d.values())))

</pallas_src>

<mosaic_0001>
module attributes {stable_mosaic.version = 14 : i64} {
  func.func @_router_body(%arg0: i32, %arg1: memref<32x128xi32, #tpu.memory_space<vmem>>, %arg2: memref<128x32xi32, #tpu.memory_space<vmem>>, %arg3: memref<32x128xi32, #tpu.memory_space<vmem>>, %arg4: memref<32x128xi32, #tpu.memory_space<vmem>>, %arg5: memref<32x128xf32, #tpu.memory_space<vmem>>, %arg6: memref<64x96x128xf32, #tpu.memory_space<vmem>>, %arg7: memref<1x1x128xi32, #tpu.memory_space<vmem>>) attributes {dimension_semantics = [#tpu.dimension_semantics<arbitrary>], iteration_bounds = array<i64: 32>, scalar_prefetch = 0 : i64, scratch_operands = 0 : i64, tpu.core_type = #tpu.core_type<tc>, window_params = [{pipeline_mode = #tpu.pipeline_mode<synchronous>, transform_indices = @transform_0, window_bounds = array<i64: 32, 128>}, {pipeline_mode = #tpu.pipeline_mode<synchronous>, transform_indices = @transform_1, window_bounds = array<i64: 128, 32>}, {pipeline_mode = #tpu.pipeline_mode<synchronous>, transform_indices = @transform_2, window_bounds = array<i64: 32, 128>}, {pipeline_mode = #tpu.pipeline_mode<synchronous>, transform_indices = @transform_3, window_bounds = array<i64: 32, 128>}, {pipeline_mode = #tpu.pipeline_mode<synchronous>, transform_indices = @transform_4, window_bounds = array<i64: 32, 128>}, {transform_indices = @transform_5, window_bounds = array<i64: 64, 96, 128>}, {transform_indices = @transform_6, window_bounds = array<i64: 1, 1, 128>}]} {
    %iota3A = tpu.iota {dimensions = array<i32: 1>} : vector<1x128xi32>
    %iota3A_0 = tpu.iota {dimensions = array<i32: 0>} : vector<128x1xi32>
    %get3A = arith.index_cast %arg0 : i32 to index
    %get3A_1 = arith.constant 0 : index
    %get3A_2 = vector.load %arg1[%get3A, %get3A_1] : memref<32x128xi32, #tpu.memory_space<vmem>>, vector<1x128xi32>
    %get3A_3 = vector.shape_cast %get3A_2 : vector<1x128xi32> to vector<128xi32>
    %reshape3A = vector.shape_cast %get3A_3 : vector<128xi32> to vector<1x128xi32>
    %get3A_4 = arith.index_cast %arg0 : i32 to index
    %get3A_5 = arith.constant 0 : index
    %get3A_6 = vector.load %arg3[%get3A_4, %get3A_5] : memref<32x128xi32, #tpu.memory_space<vmem>>, vector<1x128xi32>
    %get3A_7 = vector.shape_cast %get3A_6 : vector<1x128xi32> to vector<128xi32>
    %reshape3A_8 = vector.shape_cast %get3A_7 : vector<128xi32> to vector<1x128xi32>
    %mul3A = arith.constant 128 : i32
    %mul3A_9 = arith.muli %arg0, %mul3A : i32
    %add3A = vector.broadcast %mul3A_9 : i32 to vector<1x128xi32>
    %add3A_10 = arith.addi %add3A, %iota3A : vector<1x128xi32>
    %broadcast_in_dim3A = arith.constant 0 : i32
    %broadcast_in_dim3A_11 = vector.broadcast %broadcast_in_dim3A : i32 to vector<128x128xi32>
    %get3A_12 = arith.constant 0 : index
    %get3A_13 = arith.constant 0 : index
    %get3A_14 = vector.load %arg2[%get3A_12, %get3A_13] : memref<128x32xi32, #tpu.memory_space<vmem>>, vector<128x1xi32>
    %get3A_15 = vector.shape_cast %get3A_14 : vector<128x1xi32> to vector<128xi32>
    %reshape3A_16 = vector.shape_cast %get3A_15 : vector<128xi32> to vector<128x1xi32>
    %add3A_17 = arith.constant 0 : i32
    %add3A_18 = vector.broadcast %add3A_17 : i32 to vector<128x1xi32>
    %add3A_19 = arith.addi %add3A_18, %iota3A_0 : vector<128x1xi32>
    %gt3A = vector.broadcast %reshape3A_16 : vector<128x1xi32> to vector<128x128xi32>
    %gt3A_20 = vector.broadcast %reshape3A : vector<1x128xi32> to vector<128x128xi32>
    %gt3A_21 = arith.cmpi sgt, %gt3A, %gt3A_20 : vector<128x128xi32>
    %eq3A = vector.broadcast %reshape3A_16 : vector<128x1xi32> to vector<128x128xi32>
    %eq3A_22 = vector.broadcast %reshape3A : vector<1x128xi32> to vector<128x128xi32>
    %eq3A_23 = arith.cmpi eq, %eq3A, %eq3A_22 : vector<128x128xi32>
    %lt3A = vector.broadcast %add3A_19 : vector<128x1xi32> to vector<128x128xi32>
    %lt3A_24 = vector.broadcast %add3A_10 : vector<1x128xi32> to vector<128x128xi32>
    %lt3A_25 = arith.cmpi slt, %lt3A, %lt3A_24 : vector<128x128xi32>
    %and3A = arith.andi %eq3A_23, %lt3A_25 : vector<128x128xi1>
    %ge3A = vector.broadcast %reshape3A_16 : vector<128x1xi32> to vector<128x128xi32>
    %ge3A_26 = vector.broadcast %reshape3A_8 : vector<1x128xi32> to vector<128x128xi32>
    %ge3A_27 = arith.cmpi sge, %ge3A, %ge3A_26 : vector<128x128xi32>
    %or3A = arith.ori %gt3A_21, %and3A : vector<128x128xi1>
    %convert_element_type3A = arith.extui %or3A : vector<128x128xi1> to vector<128x128xi32>
    %add3A_28 = arith.addi %broadcast_in_dim3A_11, %convert_element_type3A : vector<128x128xi32>
    %convert_element_type3A_29 = arith.extui %ge3A_27 : vector<128x128xi1> to vector<128x128xi32>
    %sub3A = arith.subi %add3A_28, %convert_element_type3A_29 : vector<128x128xi32>
    %get3A_30 = arith.constant 0 : index
    %get3A_31 = arith.constant 1 : index
    %get3A_32 = vector.load %arg2[%get3A_30, %get3A_31] : memref<128x32xi32, #tpu.memory_space<vmem>>, vector<128x1xi32>
    %get3A_33 = vector.shape_cast %get3A_32 : vector<128x1xi32> to vector<128xi32>
    %reshape3A_34 = vector.shape_cast %get3A_33 : vector<128xi32> to vector<128x1xi32>
    %add3A_35 = arith.constant 128 : i32
    %add3A_36 = vector.broadcast %add3A_35 : i32 to vector<128x1xi32>
    %add3A_37 = arith.addi %add3A_36, %iota3A_0 : vector<128x1xi32>
    %gt3A_38 = vector.broadcast %reshape3A_34 : vector<128x1xi32> to vector<128x128xi32>
    %gt3A_39 = vector.broadcast %reshape3A : vector<1x128xi32> to vector<128x128xi32>
    %gt3A_40 = arith.cmpi sgt, %gt3A_38, %gt3A_39 : vector<128x128xi32>
    %eq3A_41 = vector.broadcast %reshape3A_34 : vector<128x1xi32> to vector<128x128xi32>
    %eq3A_42 = vector.broadcast %reshape3A : vector<1x128xi32> to vector<128x128xi32>
    %eq3A_43 = arith.cmpi eq, %eq3A_41, %eq3A_42 : vector<128x128xi32>
    %lt3A_44 = vector.broadcast %add3A_37 : vector<128x1xi32> to vector<128x128xi32>
    %lt3A_45 = vector.broadcast %add3A_10 : vector<1x128xi32> to vector<128x128xi32>
    %lt3A_46 = arith.cmpi slt, %lt3A_44, %lt3A_45 : vector<128x128xi32>
    %and3A_47 = arith.andi %eq3A_43, %lt3A_46 : vector<128x128xi1>
    %ge3A_48 = vector.broadcast %reshape3A_34 : vector<128x1xi32> to vector<128x128xi32>
    %ge3A_49 = vector.broadcast %reshape3A_8 : vector<1x128xi32> to vector<128x128xi32>
    %ge3A_50 = arith.cmpi sge, %ge3A_48, %ge3A_49 : vector<128x128xi32>
    %or3A_51 = arith.ori %gt3A_40, %and3A_47 : vector<128x128xi1>
    %convert_element_type3A_52 = arith.extui %or3A_51 : vector<128x128xi1> to vector<128x128xi32>
    %add3A_53 = arith.addi %sub3A, %convert_element_type3A_52 : vector<128x128xi32>
    %convert_element_type3A_54 = arith.extui %ge3A_50 : vector<128x128xi1> to vector<128x128xi32>
    %sub3A_55 = arith.subi %add3A_53, %convert_element_type3A_54 : vector<128x128xi32>
    %get3A_56 = arith.constant 0 : index
    %get3A_57 = arith.constant 2 : index
    %get3A_58 = vector.load %arg2[%get3A_56, %get3A_57] : memref<128x32xi32, #tpu.memory_space<vmem>>, vector<128x1xi32>
    %get3A_59 = vector.shape_cast %get3A_58 : vector<128x1xi32> to vector<128xi32>
    %reshape3A_60 = vector.shape_cast %get3A_59 : vector<128xi32> to vector<128x1xi32>
    %add3A_61 = arith.constant 256 : i32
    %add3A_62 = vector.broadcast %add3A_61 : i32 to vector<128x1xi32>
    %add3A_63 = arith.addi %add3A_62, %iota3A_0 : vector<128x1xi32>
    %gt3A_64 = vector.broadcast %reshape3A_60 : vector<128x1xi32> to vector<128x128xi32>
    %gt3A_65 = vector.broadcast %reshape3A : vector<1x128xi32> to vector<128x128xi32>
    %gt3A_66 = arith.cmpi sgt, %gt3A_64, %gt3A_65 : vector<128x128xi32>
    %eq3A_67 = vector.broadcast %reshape3A_60 : vector<128x1xi32> to vector<128x128xi32>
    %eq3A_68 = vector.broadcast %reshape3A : vector<1x128xi32> to vector<128x128xi32>
    %eq3A_69 = arith.cmpi eq, %eq3A_67, %eq3A_68 : vector<128x128xi32>
    %lt3A_70 = vector.broadcast %add3A_63 : vector<128x1xi32> to vector<128x128xi32>
    %lt3A_71 = vector.broadcast %add3A_10 : vector<1x128xi32> to vector<128x128xi32>
    %lt3A_72 = arith.cmpi slt, %lt3A_70, %lt3A_71 : vector<128x128xi32>
    %and3A_73 = arith.andi %eq3A_69, %lt3A_72 : vector<128x128xi1>
    %ge3A_74 = vector.broadcast %reshape3A_60 : vector<128x1xi32> to vector<128x128xi32>
    %ge3A_75 = vector.broadcast %reshape3A_8 : vector<1x128xi32> to vector<128x128xi32>
    %ge3A_76 = arith.cmpi sge, %ge3A_74, %ge3A_75 : vector<128x128xi32>
    %or3A_77 = arith.ori %gt3A_66, %and3A_73 : vector<128x128xi1>
    %convert_element_type3A_78 = arith.extui %or3A_77 : vector<128x128xi1> to vector<128x128xi32>
    %add3A_79 = arith.addi %sub3A_55, %convert_element_type3A_78 : vector<128x128xi32>
    %convert_element_type3A_80 = arith.extui %ge3A_76 : vector<128x128xi1> to vector<128x128xi32>
    %sub3A_81 = arith.subi %add3A_79, %convert_element_type3A_80 : vector<128x128xi32>
    %get3A_82 = arith.constant 0 : index
    %get3A_83 = arith.constant 3 : index
    %get3A_84 = vector.load %arg2[%get3A_82, %get3A_83] : memref<128x32xi32, #tpu.memory_space<vmem>>, vector<128x1xi32>
    %get3A_85 = vector.shape_cast %get3A_84 : vector<128x1xi32> to vector<128xi32>
    %reshape3A_86 = vector.shape_cast %get3A_85 : vector<128xi32> to vector<128x1xi32>
    %add3A_87 = arith.constant 384 : i32
    %add3A_88 = vector.broadcast %add3A_87 : i32 to vector<128x1xi32>
    %add3A_89 = arith.addi %add3A_88, %iota3A_0 : vector<128x1xi32>
    %gt3A_90 = vector.broadcast %reshape3A_86 : vector<128x1xi32> to vector<128x128xi32>
    %gt3A_91 = vector.broadcast %reshape3A : vector<1x128xi32> to vector<128x128xi32>
    %gt3A_92 = arith.cmpi sgt, %gt3A_90, %gt3A_91 : vector<128x128xi32>
    %eq3A_93 = vector.broadcast %reshape3A_86 : vector<128x1xi32> to vector<128x128xi32>
    %eq3A_94 = vector.broadcast %reshape3A : vector<1x128xi32> to vector<128x128xi32>
    %eq3A_95 = arith.cmpi eq, %eq3A_93, %eq3A_94 : vector<128x128xi32>
    %lt3A_96 = vector.broadcast %add3A_89 : vector<128x1xi32> to vector<128x128xi32>
    %lt3A_97 = vector.broadcast %add3A_10 : vector<1x128xi32> to vector<128x128xi32>
    %lt3A_98 = arith.cmpi slt, %lt3A_96, %lt3A_97 : vector<128x128xi32>
    %and3A_99 = arith.andi %eq3A_95, %lt3A_98 : vector<128x128xi1>
    %ge3A_100 = vector.broadcast %reshape3A_86 : vector<128x1xi32> to vector<128x128xi32>
    %ge3A_101 = vector.broadcast %reshape3A_8 : vector<1x128xi32> to vector<128x128xi32>
    %ge3A_102 = arith.cmpi sge, %ge3A_100, %ge3A_101 : vector<128x128xi32>
    %or3A_103 = arith.ori %gt3A_92, %and3A_99 : vector<128x128xi1>
    %convert_element_type3A_104 = arith.extui %or3A_103 : vector<128x128xi1> to vector<128x128xi32>
    %add3A_105 = arith.addi %sub3A_81, %convert_element_type3A_104 : vector<128x128xi32>
    %convert_element_type3A_106 = arith.extui %ge3A_102 : vector<128x128xi1> to vector<128x128xi32>
    %sub3A_107 = arith.subi %add3A_105, %convert_element_type3A_106 : vector<128x128xi32>
    %get3A_108 = arith.constant 0 : index
    %get3A_109 = arith.constant 4 : index
    %get3A_110 = vector.load %arg2[%get3A_108, %get3A_109] : memref<128x32xi32, #tpu.memory_space<vmem>>, vector<128x1xi32>
    %get3A_111 = vector.shape_cast %get3A_110 : vector<128x1xi32> to vector<128xi32>
    %reshape3A_112 = vector.shape_cast %get3A_111 : vector<128xi32> to vector<128x1xi32>
    %add3A_113 = arith.constant 512 : i32
    %add3A_114 = vector.broadcast %add3A_113 : i32 to vector<128x1xi32>
    %add3A_115 = arith.addi %add3A_114, %iota3A_0 : vector<128x1xi32>
    %gt3A_116 = vector.broadcast %reshape3A_112 : vector<128x1xi32> to vector<128x128xi32>
    %gt3A_117 = vector.broadcast %reshape3A : vector<1x128xi32> to vector<128x128xi32>
    %gt3A_118 = arith.cmpi sgt, %gt3A_116, %gt3A_117 : vector<128x128xi32>
    %eq3A_119 = vector.broadcast %reshape3A_112 : vector<128x1xi32> to vector<128x128xi32>
    %eq3A_120 = vector.broadcast %reshape3A : vector<1x128xi32> to vector<128x128xi32>
    %eq3A_121 = arith.cmpi eq, %eq3A_119, %eq3A_120 : vector<128x128xi32>
    %lt3A_122 = vector.broadcast %add3A_115 : vector<128x1xi32> to vector<128x128xi32>
    %lt3A_123 = vector.broadcast %add3A_10 : vector<1x128xi32> to vector<128x128xi32>
    %lt3A_124 = arith.cmpi slt, %lt3A_122, %lt3A_123 : vector<128x128xi32>
    %and3A_125 = arith.andi %eq3A_121, %lt3A_124 : vector<128x128xi1>
    %ge3A_126 = vector.broadcast %reshape3A_112 : vector<128x1xi32> to vector<128x128xi32>
    %ge3A_127 = vector.broadcast %reshape3A_8 : vector<1x128xi32> to vector<128x128xi32>
    %ge3A_128 = arith.cmpi sge, %ge3A_126, %ge3A_127 : vector<128x128xi32>
    %or3A_129 = arith.ori %gt3A_118, %and3A_125 : vector<128x128xi1>
    %convert_element_type3A_130 = arith.extui %or3A_129 : vector<128x128xi1> to vector<128x128xi32>
    %add3A_131 = arith.addi %sub3A_107, %convert_element_type3A_130 : vector<128x128xi32>
    %convert_element_type3A_132 = arith.extui %ge3A_128 : vector<128x128xi1> to vector<128x128xi32>
    %sub3A_133 = arith.subi %add3A_131, %convert_element_type3A_132 : vector<128x128xi32>
    %get3A_134 = arith.constant 0 : index
    %get3A_135 = arith.constant 5 : index
    %get3A_136 = vector.load %arg2[%get3A_134, %get3A_135] : memref<128x32xi32, #tpu.memory_space<vmem>>, vector<128x1xi32>
    %get3A_137 = vector.shape_cast %get3A_136 : vector<128x1xi32> to vector<128xi32>
    %reshape3A_138 = vector.shape_cast %get3A_137 : vector<128xi32> to vector<128x1xi32>
    %add3A_139 = arith.constant 640 : i32
    %add3A_140 = vector.broadcast %add3A_139 : i32 to vector<128x1xi32>
    %add3A_141 = arith.addi %add3A_140, %iota3A_0 : vector<128x1xi32>
    %gt3A_142 = vector.broadcast %reshape3A_138 : vector<128x1xi32> to vector<128x128xi32>
    %gt3A_143 = vector.broadcast %reshape3A : vector<1x128xi32> to vector<128x128xi32>
    %gt3A_144 = arith.cmpi sgt, %gt3A_142, %gt3A_143 : vector<128x128xi32>
    %eq3A_145 = vector.broadcast %reshape3A_138 : vector<128x1xi32> to vector<128x128xi32>
    %eq3A_146 = vector.broadcast %reshape3A : vector<1x128xi32> to vector<128x128xi32>
    %eq3A_147 = arith.cmpi eq, %eq3A_145, %eq3A_146 : vector<128x128xi32>
    %lt3A_148 = vector.broadcast %add3A_141 : vector<128x1xi32> to vector<128x128xi32>
    %lt3A_149 = vector.broadcast %add3A_10 : vector<1x128xi32> to vector<128x128xi32>
    %lt3A_150 = arith.cmpi slt, %lt3A_148, %lt3A_149 : vector<128x128xi32>
    %and3A_151 = arith.andi %eq3A_147, %lt3A_150 : vector<128x128xi1>
    %ge3A_152 = vector.broadcast %reshape3A_138 : vector<128x1xi32> to vector<128x128xi32>
    %ge3A_153 = vector.broadcast %reshape3A_8 : vector<1x128xi32> to vector<128x128xi32>
    %ge3A_154 = arith.cmpi sge, %ge3A_152, %ge3A_153 : vector<128x128xi32>
    %or3A_155 = arith.ori %gt3A_144, %and3A_151 : vector<128x128xi1>
    %convert_element_type3A_156 = arith.extui %or3A_155 : vector<128x128xi1> to vector<128x128xi32>
    %add3A_157 = arith.addi %sub3A_133, %convert_element_type3A_156 : vector<128x128xi32>
    %convert_element_type3A_158 = arith.extui %ge3A_154 : vector<128x128xi1> to vector<128x128xi32>
    %sub3A_159 = arith.subi %add3A_157, %convert_element_type3A_158 : vector<128x128xi32>
    %get3A_160 = arith.constant 0 : index
    %get3A_161 = arith.constant 6 : index
    %get3A_162 = vector.load %arg2[%get3A_160, %get3A_161] : memref<128x32xi32, #tpu.memory_space<vmem>>, vector<128x1xi32>
    %get3A_163 = vector.shape_cast %get3A_162 : vector<128x1xi32> to vector<128xi32>
    %reshape3A_164 = vector.shape_cast %get3A_163 : vector<128xi32> to vector<128x1xi32>
    %add3A_165 = arith.constant 768 : i32
    %add3A_166 = vector.broadcast %add3A_165 : i32 to vector<128x1xi32>
    %add3A_167 = arith.addi %add3A_166, %iota3A_0 : vector<128x1xi32>
    %gt3A_168 = vector.broadcast %reshape3A_164 : vector<128x1xi32> to vector<128x128xi32>
    %gt3A_169 = vector.broadcast %reshape3A : vector<1x128xi32> to vector<128x128xi32>
    %gt3A_170 = arith.cmpi sgt, %gt3A_168, %gt3A_169 : vector<128x128xi32>
    %eq3A_171 = vector.broadcast %reshape3A_164 : vector<128x1xi32> to vector<128x128xi32>
    %eq3A_172 = vector.broadcast %reshape3A : vector<1x128xi32> to vector<128x128xi32>
    %eq3A_173 = arith.cmpi eq, %eq3A_171, %eq3A_172 : vector<128x128xi32>
    %lt3A_174 = vector.broadcast %add3A_167 : vector<128x1xi32> to vector<128x128xi32>
    %lt3A_175 = vector.broadcast %add3A_10 : vector<1x128xi32> to vector<128x128xi32>
    %lt3A_176 = arith.cmpi slt, %lt3A_174, %lt3A_175 : vector<128x128xi32>
    %and3A_177 = arith.andi %eq3A_173, %lt3A_176 : vector<128x128xi1>
    %ge3A_178 = vector.broadcast %reshape3A_164 : vector<128x1xi32> to vector<128x128xi32>
    %ge3A_179 = vector.broadcast %reshape3A_8 : vector<1x128xi32> to vector<128x128xi32>
    %ge3A_180 = arith.cmpi sge, %ge3A_178, %ge3A_179 : vector<128x128xi32>
    %or3A_181 = arith.ori %gt3A_170, %and3A_177 : vector<128x128xi1>
    %convert_element_type3A_182 = arith.extui %or3A_181 : vector<128x128xi1> to vector<128x128xi32>
    %add3A_183 = arith.addi %sub3A_159, %convert_element_type3A_182 : vector<128x128xi32>
    %convert_element_type3A_184 = arith.extui %ge3A_180 : vector<128x128xi1> to vector<128x128xi32>
    %sub3A_185 = arith.subi %add3A_183, %convert_element_type3A_184 : vector<128x128xi32>
    %get3A_186 = arith.constant 0 : index
    %get3A_187 = arith.constant 7 : index
    %get3A_188 = vector.load %arg2[%get3A_186, %get3A_187] : memref<128x32xi32, #tpu.memory_space<vmem>>, vector<128x1xi32>
    %get3A_189 = vector.shape_cast %get3A_188 : vector<128x1xi32> to vector<128xi32>
    %reshape3A_190 = vector.shape_cast %get3A_189 : vector<128xi32> to vector<128x1xi32>
    %add3A_191 = arith.constant 896 : i32
    %add3A_192 = vector.broadcast %add3A_191 : i32 to vector<128x1xi32>
    %add3A_193 = arith.addi %add3A_192, %iota3A_0 : vector<128x1xi32>
    %gt3A_194 = vector.broadcast %reshape3A_190 : vector<128x1xi32> to vector<128x128xi32>
    %gt3A_195 = vector.broadcast %reshape3A : vector<1x128xi32> to vector<128x128xi32>
    %gt3A_196 = arith.cmpi sgt, %gt3A_194, %gt3A_195 : vector<128x128xi32>
    %eq3A_197 = vector.broadcast %reshape3A_190 : vector<128x1xi32> to vector<128x128xi32>
    %eq3A_198 = vector.broadcast %reshape3A : vector<1x128xi32> to vector<128x128xi32>
    %eq3A_199 = arith.cmpi eq, %eq3A_197, %eq3A_198 : vector<128x128xi32>
    %lt3A_200 = vector.broadcast %add3A_193 : vector<128x1xi32> to vector<128x128xi32>
    %lt3A_201 = vector.broadcast %add3A_10 : vector<1x128xi32> to vector<128x128xi32>
    %lt3A_202 = arith.cmpi slt, %lt3A_200, %lt3A_201 : vector<128x128xi32>
    %and3A_203 = arith.andi %eq3A_199, %lt3A_202 : vector<128x128xi1>
    %ge3A_204 = vector.broadcast %reshape3A_190 : vector<128x1xi32> to vector<128x128xi32>
    %ge3A_205 = vector.broadcast %reshape3A_8 : vector<1x128xi32> to vector<128x128xi32>
    %ge3A_206 = arith.cmpi sge, %ge3A_204, %ge3A_205 : vector<128x128xi32>
    %or3A_207 = arith.ori %gt3A_196, %and3A_203 : vector<128x128xi1>
    %convert_element_type3A_208 = arith.extui %or3A_207 : vector<128x128xi1> to vector<128x128xi32>
    %add3A_209 = arith.addi %sub3A_185, %convert_element_type3A_208 : vector<128x128xi32>
    %convert_element_type3A_210 = arith.extui %ge3A_206 : vector<128x128xi1> to vector<128x128xi32>
    %sub3A_211 = arith.subi %add3A_209, %convert_element_type3A_210 : vector<128x128xi32>
    %get3A_212 = arith.constant 0 : index
    %get3A_213 = arith.constant 8 : index
    %get3A_214 = vector.load %arg2[%get3A_212, %get3A_213] : memref<128x32xi32, #tpu.memory_space<vmem>>, vector<128x1xi32>
    %get3A_215 = vector.shape_cast %get3A_214 : vector<128x1xi32> to vector<128xi32>
    %reshape3A_216 = vector.shape_cast %get3A_215 : vector<128xi32> to vector<128x1xi32>
    %add3A_217 = arith.constant 1024 : i32
    %add3A_218 = vector.broadcast %add3A_217 : i32 to vector<128x1xi32>
    %add3A_219 = arith.addi %add3A_218, %iota3A_0 : vector<128x1xi32>
    %gt3A_220 = vector.broadcast %reshape3A_216 : vector<128x1xi32> to vector<128x128xi32>
    %gt3A_221 = vector.broadcast %reshape3A : vector<1x128xi32> to vector<128x128xi32>
    %gt3A_222 = arith.cmpi sgt, %gt3A_220, %gt3A_221 : vector<128x128xi32>
    %eq3A_223 = vector.broadcast %reshape3A_216 : vector<128x1xi32> to vector<128x128xi32>
    %eq3A_224 = vector.broadcast %reshape3A : vector<1x128xi32> to vector<128x128xi32>
    %eq3A_225 = arith.cmpi eq, %eq3A_223, %eq3A_224 : vector<128x128xi32>
    %lt3A_226 = vector.broadcast %add3A_219 : vector<128x1xi32> to vector<128x128xi32>
    %lt3A_227 = vector.broadcast %add3A_10 : vector<1x128xi32> to vector<128x128xi32>
    %lt3A_228 = arith.cmpi slt, %lt3A_226, %lt3A_227 : vector<128x128xi32>
    %and3A_229 = arith.andi %eq3A_225, %lt3A_228 : vector<128x128xi1>
    %ge3A_230 = vector.broadcast %reshape3A_216 : vector<128x1xi32> to vector<128x128xi32>
    %ge3A_231 = vector.broadcast %reshape3A_8 : vector<1x128xi32> to vector<128x128xi32>
    %ge3A_232 = arith.cmpi sge, %ge3A_230, %ge3A_231 : vector<128x128xi32>
    %or3A_233 = arith.ori %gt3A_222, %and3A_229 : vector<128x128xi1>
    %convert_element_type3A_234 = arith.extui %or3A_233 : vector<128x128xi1> to vector<128x128xi32>
    %add3A_235 = arith.addi %sub3A_211, %convert_element_type3A_234 : vector<128x128xi32>
    %convert_element_type3A_236 = arith.extui %ge3A_232 : vector<128x128xi1> to vector<128x128xi32>
    %sub3A_237 = arith.subi %add3A_235, %convert_element_type3A_236 : vector<128x128xi32>
    %get3A_238 = arith.constant 0 : index
    %get3A_239 = arith.constant 9 : index
    %get3A_240 = vector.load %arg2[%get3A_238, %get3A_239] : memref<128x32xi32, #tpu.memory_space<vmem>>, vector<128x1xi32>
    %get3A_241 = vector.shape_cast %get3A_240 : vector<128x1xi32> to vector<128xi32>
    %reshape3A_242 = vector.shape_cast %get3A_241 : vector<128xi32> to vector<128x1xi32>
    %add3A_243 = arith.constant 1152 : i32
    %add3A_244 = vector.broadcast %add3A_243 : i32 to vector<128x1xi32>
    %add3A_245 = arith.addi %add3A_244, %iota3A_0 : vector<128x1xi32>
    %gt3A_246 = vector.broadcast %reshape3A_242 : vector<128x1xi32> to vector<128x128xi32>
    %gt3A_247 = vector.broadcast %reshape3A : vector<1x128xi32> to vector<128x128xi32>
    %gt3A_248 = arith.cmpi sgt, %gt3A_246, %gt3A_247 : vector<128x128xi32>
    %eq3A_249 = vector.broadcast %reshape3A_242 : vector<128x1xi32> to vector<128x128xi32>
    %eq3A_250 = vector.broadcast %reshape3A : vector<1x128xi32> to vector<128x128xi32>
    %eq3A_251 = arith.cmpi eq, %eq3A_249, %eq3A_250 : vector<128x128xi32>
    %lt3A_252 = vector.broadcast %add3A_245 : vector<128x1xi32> to vector<128x128xi32>
    %lt3A_253 = vector.broadcast %add3A_10 : vector<1x128xi32> to vector<128x128xi32>
    %lt3A_254 = arith.cmpi slt, %lt3A_252, %lt3A_253 : vector<128x128xi32>
    %and3A_255 = arith.andi %eq3A_251, %lt3A_254 : vector<128x128xi1>
    %ge3A_256 = vector.broadcast %reshape3A_242 : vector<128x1xi32> to vector<128x128xi32>
    %ge3A_257 = vector.broadcast %reshape3A_8 : vector<1x128xi32> to vector<128x128xi32>
    %ge3A_258 = arith.cmpi sge, %ge3A_256, %ge3A_257 : vector<128x128xi32>
    %or3A_259 = arith.ori %gt3A_248, %and3A_255 : vector<128x128xi1>
    %convert_element_type3A_260 = arith.extui %or3A_259 : vector<128x128xi1> to vector<128x128xi32>
    %add3A_261 = arith.addi %sub3A_237, %convert_element_type3A_260 : vector<128x128xi32>
    %convert_element_type3A_262 = arith.extui %ge3A_258 : vector<128x128xi1> to vector<128x128xi32>
    %sub3A_263 = arith.subi %add3A_261, %convert_element_type3A_262 : vector<128x128xi32>
    %get3A_264 = arith.constant 0 : index
    %get3A_265 = arith.constant 10 : index
    %get3A_266 = vector.load %arg2[%get3A_264, %get3A_265] : memref<128x32xi32, #tpu.memory_space<vmem>>, vector<128x1xi32>
    %get3A_267 = vector.shape_cast %get3A_266 : vector<128x1xi32> to vector<128xi32>
    %reshape3A_268 = vector.shape_cast %get3A_267 : vector<128xi32> to vector<128x1xi32>
    %add3A_269 = arith.constant 1280 : i32
    %add3A_270 = vector.broadcast %add3A_269 : i32 to vector<128x1xi32>
    %add3A_271 = arith.addi %add3A_270, %iota3A_0 : vector<128x1xi32>
    %gt3A_272 = vector.broadcast %reshape3A_268 : vector<128x1xi32> to vector<128x128xi32>
    %gt3A_273 = vector.broadcast %reshape3A : vector<1x128xi32> to vector<128x128xi32>
    %gt3A_274 = arith.cmpi sgt, %gt3A_272, %gt3A_273 : vector<128x128xi32>
    %eq3A_275 = vector.broadcast %reshape3A_268 : vector<128x1xi32> to vector<128x128xi32>
    %eq3A_276 = vector.broadcast %reshape3A : vector<1x128xi32> to vector<128x128xi32>
    %eq3A_277 = arith.cmpi eq, %eq3A_275, %eq3A_276 : vector<128x128xi32>
    %lt3A_278 = vector.broadcast %add3A_271 : vector<128x1xi32> to vector<128x128xi32>
    %lt3A_279 = vector.broadcast %add3A_10 : vector<1x128xi32> to vector<128x128xi32>
    %lt3A_280 = arith.cmpi slt, %lt3A_278, %lt3A_279 : vector<128x128xi32>
    %and3A_281 = arith.andi %eq3A_277, %lt3A_280 : vector<128x128xi1>
    %ge3A_282 = vector.broadcast %reshape3A_268 : vector<128x1xi32> to vector<128x128xi32>
    %ge3A_283 = vector.broadcast %reshape3A_8 : vector<1x128xi32> to vector<128x128xi32>
    %ge3A_284 = arith.cmpi sge, %ge3A_282, %ge3A_283 : vector<128x128xi32>
    %or3A_285 = arith.ori %gt3A_274, %and3A_281 : vector<128x128xi1>
    %convert_element_type3A_286 = arith.extui %or3A_285 : vector<128x128xi1> to vector<128x128xi32>
    %add3A_287 = arith.addi %sub3A_263, %convert_element_type3A_286 : vector<128x128xi32>
    %convert_element_type3A_288 = arith.extui %ge3A_284 : vector<128x128xi1> to vector<128x128xi32>
    %sub3A_289 = arith.subi %add3A_287, %convert_element_type3A_288 : vector<128x128xi32>
    %get3A_290 = arith.constant 0 : index
    %get3A_291 = arith.constant 11 : index
    %get3A_292 = vector.load %arg2[%get3A_290, %get3A_291] : memref<128x32xi32, #tpu.memory_space<vmem>>, vector<128x1xi32>
    %get3A_293 = vector.shape_cast %get3A_292 : vector<128x1xi32> to vector<128xi32>
    %reshape3A_294 = vector.shape_cast %get3A_293 : vector<128xi32> to vector<128x1xi32>
    %add3A_295 = arith.constant 1408 : i32
    %add3A_296 = vector.broadcast %add3A_295 : i32 to vector<128x1xi32>
    %add3A_297 = arith.addi %add3A_296, %iota3A_0 : vector<128x1xi32>
    %gt3A_298 = vector.broadcast %reshape3A_294 : vector<128x1xi32> to vector<128x128xi32>
    %gt3A_299 = vector.broadcast %reshape3A : vector<1x128xi32> to vector<128x128xi32>
    %gt3A_300 = arith.cmpi sgt, %gt3A_298, %gt3A_299 : vector<128x128xi32>
    %eq3A_301 = vector.broadcast %reshape3A_294 : vector<128x1xi32> to vector<128x128xi32>
    %eq3A_302 = vector.broadcast %reshape3A : vector<1x128xi32> to vector<128x128xi32>
    %eq3A_303 = arith.cmpi eq, %eq3A_301, %eq3A_302 : vector<128x128xi32>
    %lt3A_304 = vector.broadcast %add3A_297 : vector<128x1xi32> to vector<128x128xi32>
    %lt3A_305 = vector.broadcast %add3A_10 : vector<1x128xi32> to vector<128x128xi32>
    %lt3A_306 = arith.cmpi slt, %lt3A_304, %lt3A_305 : vector<128x128xi32>
    %and3A_307 = arith.andi %eq3A_303, %lt3A_306 : vector<128x128xi1>
    %ge3A_308 = vector.broadcast %reshape3A_294 : vector<128x1xi32> to vector<128x128xi32>
    %ge3A_309 = vector.broadcast %reshape3A_8 : vector<1x128xi32> to vector<128x128xi32>
    %ge3A_310 = arith.cmpi sge, %ge3A_308, %ge3A_309 : vector<128x128xi32>
    %or3A_311 = arith.ori %gt3A_300, %and3A_307 : vector<128x128xi1>
    %convert_element_type3A_312 = arith.extui %or3A_311 : vector<128x128xi1> to vector<128x128xi32>
    %add3A_313 = arith.addi %sub3A_289, %convert_element_type3A_312 : vector<128x128xi32>
    %convert_element_type3A_314 = arith.extui %ge3A_310 : vector<128x128xi1> to vector<128x128xi32>
    %sub3A_315 = arith.subi %add3A_313, %convert_element_type3A_314 : vector<128x128xi32>
    %get3A_316 = arith.constant 0 : index
    %get3A_317 = arith.constant 12 : index
    %get3A_318 = vector.load %arg2[%get3A_316, %get3A_317] : memref<128x32xi32, #tpu.memory_space<vmem>>, vector<128x1xi32>
    %get3A_319 = vector.shape_cast %get3A_318 : vector<128x1xi32> to vector<128xi32>
    %reshape3A_320 = vector.shape_cast %get3A_319 : vector<128xi32> to vector<128x1xi32>
    %add3A_321 = arith.constant 1536 : i32
    %add3A_322 = vector.broadcast %add3A_321 : i32 to vector<128x1xi32>
    %add3A_323 = arith.addi %add3A_322, %iota3A_0 : vector<128x1xi32>
    %gt3A_324 = vector.broadcast %reshape3A_320 : vector<128x1xi32> to vector<128x128xi32>
    %gt3A_325 = vector.broadcast %reshape3A : vector<1x128xi32> to vector<128x128xi32>
    %gt3A_326 = arith.cmpi sgt, %gt3A_324, %gt3A_325 : vector<128x128xi32>
    %eq3A_327 = vector.broadcast %reshape3A_320 : vector<128x1xi32> to vector<128x128xi32>
    %eq3A_328 = vector.broadcast %reshape3A : vector<1x128xi32> to vector<128x128xi32>
    %eq3A_329 = arith.cmpi eq, %eq3A_327, %eq3A_328 : vector<128x128xi32>
    %lt3A_330 = vector.broadcast %add3A_323 : vector<128x1xi32> to vector<128x128xi32>
    %lt3A_331 = vector.broadcast %add3A_10 : vector<1x128xi32> to vector<128x128xi32>
    %lt3A_332 = arith.cmpi slt, %lt3A_330, %lt3A_331 : vector<128x128xi32>
    %and3A_333 = arith.andi %eq3A_329, %lt3A_332 : vector<128x128xi1>
    %ge3A_334 = vector.broadcast %reshape3A_320 : vector<128x1xi32> to vector<128x128xi32>
    %ge3A_335 = vector.broadcast %reshape3A_8 : vector<1x128xi32> to vector<128x128xi32>
    %ge3A_336 = arith.cmpi sge, %ge3A_334, %ge3A_335 : vector<128x128xi32>
    %or3A_337 = arith.ori %gt3A_326, %and3A_333 : vector<128x128xi1>
    %convert_element_type3A_338 = arith.extui %or3A_337 : vector<128x128xi1> to vector<128x128xi32>
    %add3A_339 = arith.addi %sub3A_315, %convert_element_type3A_338 : vector<128x128xi32>
    %convert_element_type3A_340 = arith.extui %ge3A_336 : vector<128x128xi1> to vector<128x128xi32>
    %sub3A_341 = arith.subi %add3A_339, %convert_element_type3A_340 : vector<128x128xi32>
    %get3A_342 = arith.constant 0 : index
    %get3A_343 = arith.constant 13 : index
    %get3A_344 = vector.load %arg2[%get3A_342, %get3A_343] : memref<128x32xi32, #tpu.memory_space<vmem>>, vector<128x1xi32>
    %get3A_345 = vector.shape_cast %get3A_344 : vector<128x1xi32> to vector<128xi32>
    %reshape3A_346 = vector.shape_cast %get3A_345 : vector<128xi32> to vector<128x1xi32>
    %add3A_347 = arith.constant 1664 : i32
    %add3A_348 = vector.broadcast %add3A_347 : i32 to vector<128x1xi32>
    %add3A_349 = arith.addi %add3A_348, %iota3A_0 : vector<128x1xi32>
    %gt3A_350 = vector.broadcast %reshape3A_346 : vector<128x1xi32> to vector<128x128xi32>
    %gt3A_351 = vector.broadcast %reshape3A : vector<1x128xi32> to vector<128x128xi32>
    %gt3A_352 = arith.cmpi sgt, %gt3A_350, %gt3A_351 : vector<128x128xi32>
    %eq3A_353 = vector.broadcast %reshape3A_346 : vector<128x1xi32> to vector<128x128xi32>
    %eq3A_354 = vector.broadcast %reshape3A : vector<1x128xi32> to vector<128x128xi32>
    %eq3A_355 = arith.cmpi eq, %eq3A_353, %eq3A_354 : vector<128x128xi32>
    %lt3A_356 = vector.broadcast %add3A_349 : vector<128x1xi32> to vector<128x128xi32>
    %lt3A_357 = vector.broadcast %add3A_10 : vector<1x128xi32> to vector<128x128xi32>
    %lt3A_358 = arith.cmpi slt, %lt3A_356, %lt3A_357 : vector<128x128xi32>
    %and3A_359 = arith.andi %eq3A_355, %lt3A_358 : vector<128x128xi1>
    %ge3A_360 = vector.broadcast %reshape3A_346 : vector<128x1xi32> to vector<128x128xi32>
    %ge3A_361 = vector.broadcast %reshape3A_8 : vector<1x128xi32> to vector<128x128xi32>
    %ge3A_362 = arith.cmpi sge, %ge3A_360, %ge3A_361 : vector<128x128xi32>
    %or3A_363 = arith.ori %gt3A_352, %and3A_359 : vector<128x128xi1>
    %convert_element_type3A_364 = arith.extui %or3A_363 : vector<128x128xi1> to vector<128x128xi32>
    %add3A_365 = arith.addi %sub3A_341, %convert_element_type3A_364 : vector<128x128xi32>
    %convert_element_type3A_366 = arith.extui %ge3A_362 : vector<128x128xi1> to vector<128x128xi32>
    %sub3A_367 = arith.subi %add3A_365, %convert_element_type3A_366 : vector<128x128xi32>
    %get3A_368 = arith.constant 0 : index
    %get3A_369 = arith.constant 14 : index
    %get3A_370 = vector.load %arg2[%get3A_368, %get3A_369] : memref<128x32xi32, #tpu.memory_space<vmem>>, vector<128x1xi32>
    %get3A_371 = vector.shape_cast %get3A_370 : vector<128x1xi32> to vector<128xi32>
    %reshape3A_372 = vector.shape_cast %get3A_371 : vector<128xi32> to vector<128x1xi32>
    %add3A_373 = arith.constant 1792 : i32
    %add3A_374 = vector.broadcast %add3A_373 : i32 to vector<128x1xi32>
    %add3A_375 = arith.addi %add3A_374, %iota3A_0 : vector<128x1xi32>
    %gt3A_376 = vector.broadcast %reshape3A_372 : vector<128x1xi32> to vector<128x128xi32>
    %gt3A_377 = vector.broadcast %reshape3A : vector<1x128xi32> to vector<128x128xi32>
    %gt3A_378 = arith.cmpi sgt, %gt3A_376, %gt3A_377 : vector<128x128xi32>
    %eq3A_379 = vector.broadcast %reshape3A_372 : vector<128x1xi32> to vector<128x128xi32>
    %eq3A_380 = vector.broadcast %reshape3A : vector<1x128xi32> to vector<128x128xi32>
    %eq3A_381 = arith.cmpi eq, %eq3A_379, %eq3A_380 : vector<128x128xi32>
    %lt3A_382 = vector.broadcast %add3A_375 : vector<128x1xi32> to vector<128x128xi32>
    %lt3A_383 = vector.broadcast %add3A_10 : vector<1x128xi32> to vector<128x128xi32>
    %lt3A_384 = arith.cmpi slt, %lt3A_382, %lt3A_383 : vector<128x128xi32>
    %and3A_385 = arith.andi %eq3A_381, %lt3A_384 : vector<128x128xi1>
    %ge3A_386 = vector.broadcast %reshape3A_372 : vector<128x1xi32> to vector<128x128xi32>
    %ge3A_387 = vector.broadcast %reshape3A_8 : vector<1x128xi32> to vector<128x128xi32>
    %ge3A_388 = arith.cmpi sge, %ge3A_386, %ge3A_387 : vector<128x128xi32>
    %or3A_389 = arith.ori %gt3A_378, %and3A_385 : vector<128x128xi1>
    %convert_element_type3A_390 = arith.extui %or3A_389 : vector<128x128xi1> to vector<128x128xi32>
    %add3A_391 = arith.addi %sub3A_367, %convert_element_type3A_390 : vector<128x128xi32>
    %convert_element_type3A_392 = arith.extui %ge3A_388 : vector<128x128xi1> to vector<128x128xi32>
    %sub3A_393 = arith.subi %add3A_391, %convert_element_type3A_392 : vector<128x128xi32>
    %get3A_394 = arith.constant 0 : index
    %get3A_395 = arith.constant 15 : index
    %get3A_396 = vector.load %arg2[%get3A_394, %get3A_395] : memref<128x32xi32, #tpu.memory_space<vmem>>, vector<128x1xi32>
    %get3A_397 = vector.shape_cast %get3A_396 : vector<128x1xi32> to vector<128xi32>
    %reshape3A_398 = vector.shape_cast %get3A_397 : vector<128xi32> to vector<128x1xi32>
    %add3A_399 = arith.constant 1920 : i32
    %add3A_400 = vector.broadcast %add3A_399 : i32 to vector<128x1xi32>
    %add3A_401 = arith.addi %add3A_400, %iota3A_0 : vector<128x1xi32>
    %gt3A_402 = vector.broadcast %reshape3A_398 : vector<128x1xi32> to vector<128x128xi32>
    %gt3A_403 = vector.broadcast %reshape3A : vector<1x128xi32> to vector<128x128xi32>
    %gt3A_404 = arith.cmpi sgt, %gt3A_402, %gt3A_403 : vector<128x128xi32>
    %eq3A_405 = vector.broadcast %reshape3A_398 : vector<128x1xi32> to vector<128x128xi32>
    %eq3A_406 = vector.broadcast %reshape3A : vector<1x128xi32> to vector<128x128xi32>
    %eq3A_407 = arith.cmpi eq, %eq3A_405, %eq3A_406 : vector<128x128xi32>
    %lt3A_408 = vector.broadcast %add3A_401 : vector<128x1xi32> to vector<128x128xi32>
    %lt3A_409 = vector.broadcast %add3A_10 : vector<1x128xi32> to vector<128x128xi32>
    %lt3A_410 = arith.cmpi slt, %lt3A_408, %lt3A_409 : vector<128x128xi32>
    %and3A_411 = arith.andi %eq3A_407, %lt3A_410 : vector<128x128xi1>
    %ge3A_412 = vector.broadcast %reshape3A_398 : vector<128x1xi32> to vector<128x128xi32>
    %ge3A_413 = vector.broadcast %reshape3A_8 : vector<1x128xi32> to vector<128x128xi32>
    %ge3A_414 = arith.cmpi sge, %ge3A_412, %ge3A_413 : vector<128x128xi32>
    %or3A_415 = arith.ori %gt3A_404, %and3A_411 : vector<128x128xi1>
    %convert_element_type3A_416 = arith.extui %or3A_415 : vector<128x128xi1> to vector<128x128xi32>
    %add3A_417 = arith.addi %sub3A_393, %convert_element_type3A_416 : vector<128x128xi32>
    %convert_element_type3A_418 = arith.extui %ge3A_414 : vector<128x128xi1> to vector<128x128xi32>
    %sub3A_419 = arith.subi %add3A_417, %convert_element_type3A_418 : vector<128x128xi32>
    %get3A_420 = arith.constant 0 : index
    %get3A_421 = arith.constant 16 : index
    %get3A_422 = vector.load %arg2[%get3A_420, %get3A_421] : memref<128x32xi32, #tpu.memory_space<vmem>>, vector<128x1xi32>
    %get3A_423 = vector.shape_cast %get3A_422 : vector<128x1xi32> to vector<128xi32>
    %reshape3A_424 = vector.shape_cast %get3A_423 : vector<128xi32> to vector<128x1xi32>
    %add3A_425 = arith.constant 2048 : i32
    %add3A_426 = vector.broadcast %add3A_425 : i32 to vector<128x1xi32>
    %add3A_427 = arith.addi %add3A_426, %iota3A_0 : vector<128x1xi32>
    %gt3A_428 = vector.broadcast %reshape3A_424 : vector<128x1xi32> to vector<128x128xi32>
    %gt3A_429 = vector.broadcast %reshape3A : vector<1x128xi32> to vector<128x128xi32>
    %gt3A_430 = arith.cmpi sgt, %gt3A_428, %gt3A_429 : vector<128x128xi32>
    %eq3A_431 = vector.broadcast %reshape3A_424 : vector<128x1xi32> to vector<128x128xi32>
    %eq3A_432 = vector.broadcast %reshape3A : vector<1x128xi32> to vector<128x128xi32>
    %eq3A_433 = arith.cmpi eq, %eq3A_431, %eq3A_432 : vector<128x128xi32>
    %lt3A_434 = vector.broadcast %add3A_427 : vector<128x1xi32> to vector<128x128xi32>
    %lt3A_435 = vector.broadcast %add3A_10 : vector<1x128xi32> to vector<128x128xi32>
    %lt3A_436 = arith.cmpi slt, %lt3A_434, %lt3A_435 : vector<128x128xi32>
    %and3A_437 = arith.andi %eq3A_433, %lt3A_436 : vector<128x128xi1>
    %ge3A_438 = vector.broadcast %reshape3A_424 : vector<128x1xi32> to vector<128x128xi32>
    %ge3A_439 = vector.broadcast %reshape3A_8 : vector<1x128xi32> to vector<128x128xi32>
    %ge3A_440 = arith.cmpi sge, %ge3A_438, %ge3A_439 : vector<128x128xi32>
    %or3A_441 = arith.ori %gt3A_430, %and3A_437 : vector<128x128xi1>
    %convert_element_type3A_442 = arith.extui %or3A_441 : vector<128x128xi1> to vector<128x128xi32>
    %add3A_443 = arith.addi %sub3A_419, %convert_element_type3A_442 : vector<128x128xi32>
    %convert_element_type3A_444 = arith.extui %ge3A_440 : vector<128x128xi1> to vector<128x128xi32>
    %sub3A_445 = arith.subi %add3A_443, %convert_element_type3A_444 : vector<128x128xi32>
    %get3A_446 = arith.constant 0 : index
    %get3A_447 = arith.constant 17 : index
    %get3A_448 = vector.load %arg2[%get3A_446, %get3A_447] : memref<128x32xi32, #tpu.memory_space<vmem>>, vector<128x1xi32>
    %get3A_449 = vector.shape_cast %get3A_448 : vector<128x1xi32> to vector<128xi32>
    %reshape3A_450 = vector.shape_cast %get3A_449 : vector<128xi32> to vector<128x1xi32>
    %add3A_451 = arith.constant 2176 : i32
    %add3A_452 = vector.broadcast %add3A_451 : i32 to vector<128x1xi32>
    %add3A_453 = arith.addi %add3A_452, %iota3A_0 : vector<128x1xi32>
    %gt3A_454 = vector.broadcast %reshape3A_450 : vector<128x1xi32> to vector<128x128xi32>
    %gt3A_455 = vector.broadcast %reshape3A : vector<1x128xi32> to vector<128x128xi32>
    %gt3A_456 = arith.cmpi sgt, %gt3A_454, %gt3A_455 : vector<128x128xi32>
    %eq3A_457 = vector.broadcast %reshape3A_450 : vector<128x1xi32> to vector<128x128xi32>
    %eq3A_458 = vector.broadcast %reshape3A : vector<1x128xi32> to vector<128x128xi32>
    %eq3A_459 = arith.cmpi eq, %eq3A_457, %eq3A_458 : vector<128x128xi32>
    %lt3A_460 = vector.broadcast %add3A_453 : vector<128x1xi32> to vector<128x128xi32>
    %lt3A_461 = vector.broadcast %add3A_10 : vector<1x128xi32> to vector<128x128xi32>
    %lt3A_462 = arith.cmpi slt, %lt3A_460, %lt3A_461 : vector<128x128xi32>
    %and3A_463 = arith.andi %eq3A_459, %lt3A_462 : vector<128x128xi1>
    %ge3A_464 = vector.broadcast %reshape3A_450 : vector<128x1xi32> to vector<128x128xi32>
    %ge3A_465 = vector.broadcast %reshape3A_8 : vector<1x128xi32> to vector<128x128xi32>
    %ge3A_466 = arith.cmpi sge, %ge3A_464, %ge3A_465 : vector<128x128xi32>
    %or3A_467 = arith.ori %gt3A_456, %and3A_463 : vector<128x128xi1>
    %convert_element_type3A_468 = arith.extui %or3A_467 : vector<128x128xi1> to vector<128x128xi32>
    %add3A_469 = arith.addi %sub3A_445, %convert_element_type3A_468 : vector<128x128xi32>
    %convert_element_type3A_470 = arith.extui %ge3A_466 : vector<128x128xi1> to vector<128x128xi32>
    %sub3A_471 = arith.subi %add3A_469, %convert_element_type3A_470 : vector<128x128xi32>
    %get3A_472 = arith.constant 0 : index
    %get3A_473 = arith.constant 18 : index
    %get3A_474 = vector.load %arg2[%get3A_472, %get3A_473] : memref<128x32xi32, #tpu.memory_space<vmem>>, vector<128x1xi32>
    %get3A_475 = vector.shape_cast %get3A_474 : vector<128x1xi32> to vector<128xi32>
    %reshape3A_476 = vector.shape_cast %get3A_475 : vector<128xi32> to vector<128x1xi32>
    %add3A_477 = arith.constant 2304 : i32
    %add3A_478 = vector.broadcast %add3A_477 : i32 to vector<128x1xi32>
    %add3A_479 = arith.addi %add3A_478, %iota3A_0 : vector<128x1xi32>
    %gt3A_480 = vector.broadcast %reshape3A_476 : vector<128x1xi32> to vector<128x128xi32>
    %gt3A_481 = vector.broadcast %reshape3A : vector<1x128xi32> to vector<128x128xi32>
    %gt3A_482 = arith.cmpi sgt, %gt3A_480, %gt3A_481 : vector<128x128xi32>
    %eq3A_483 = vector.broadcast %reshape3A_476 : vector<128x1xi32> to vector<128x128xi32>
    %eq3A_484 = vector.broadcast %reshape3A : vector<1x128xi32> to vector<128x128xi32>
    %eq3A_485 = arith.cmpi eq, %eq3A_483, %eq3A_484 : vector<128x128xi32>
    %lt3A_486 = vector.broadcast %add3A_479 : vector<128x1xi32> to vector<128x128xi32>
    %lt3A_487 = vector.broadcast %add3A_10 : vector<1x128xi32> to vector<128x128xi32>
    %lt3A_488 = arith.cmpi slt, %lt3A_486, %lt3A_487 : vector<128x128xi32>
    %and3A_489 = arith.andi %eq3A_485, %lt3A_488 : vector<128x128xi1>
    %ge3A_490 = vector.broadcast %reshape3A_476 : vector<128x1xi32> to vector<128x128xi32>
    %ge3A_491 = vector.broadcast %reshape3A_8 : vector<1x128xi32> to vector<128x128xi32>
    %ge3A_492 = arith.cmpi sge, %ge3A_490, %ge3A_491 : vector<128x128xi32>
    %or3A_493 = arith.ori %gt3A_482, %and3A_489 : vector<128x128xi1>
    %convert_element_type3A_494 = arith.extui %or3A_493 : vector<128x128xi1> to vector<128x128xi32>
    %add3A_495 = arith.addi %sub3A_471, %convert_element_type3A_494 : vector<128x128xi32>
    %convert_element_type3A_496 = arith.extui %ge3A_492 : vector<128x128xi1> to vector<128x128xi32>
    %sub3A_497 = arith.subi %add3A_495, %convert_element_type3A_496 : vector<128x128xi32>
    %get3A_498 = arith.constant 0 : index
    %get3A_499 = arith.constant 19 : index
    %get3A_500 = vector.load %arg2[%get3A_498, %get3A_499] : memref<128x32xi32, #tpu.memory_space<vmem>>, vector<128x1xi32>
    %get3A_501 = vector.shape_cast %get3A_500 : vector<128x1xi32> to vector<128xi32>
    %reshape3A_502 = vector.shape_cast %get3A_501 : vector<128xi32> to vector<128x1xi32>
    %add3A_503 = arith.constant 2432 : i32
    %add3A_504 = vector.broadcast %add3A_503 : i32 to vector<128x1xi32>
    %add3A_505 = arith.addi %add3A_504, %iota3A_0 : vector<128x1xi32>
    %gt3A_506 = vector.broadcast %reshape3A_502 : vector<128x1xi32> to vector<128x128xi32>
    %gt3A_507 = vector.broadcast %reshape3A : vector<1x128xi32> to vector<128x128xi32>
    %gt3A_508 = arith.cmpi sgt, %gt3A_506, %gt3A_507 : vector<128x128xi32>
    %eq3A_509 = vector.broadcast %reshape3A_502 : vector<128x1xi32> to vector<128x128xi32>
    %eq3A_510 = vector.broadcast %reshape3A : vector<1x128xi32> to vector<128x128xi32>
    %eq3A_511 = arith.cmpi eq, %eq3A_509, %eq3A_510 : vector<128x128xi32>
    %lt3A_512 = vector.broadcast %add3A_505 : vector<128x1xi32> to vector<128x128xi32>
    %lt3A_513 = vector.broadcast %add3A_10 : vector<1x128xi32> to vector<128x128xi32>
    %lt3A_514 = arith.cmpi slt, %lt3A_512, %lt3A_513 : vector<128x128xi32>
    %and3A_515 = arith.andi %eq3A_511, %lt3A_514 : vector<128x128xi1>
    %ge3A_516 = vector.broadcast %reshape3A_502 : vector<128x1xi32> to vector<128x128xi32>
    %ge3A_517 = vector.broadcast %reshape3A_8 : vector<1x128xi32> to vector<128x128xi32>
    %ge3A_518 = arith.cmpi sge, %ge3A_516, %ge3A_517 : vector<128x128xi32>
    %or3A_519 = arith.ori %gt3A_508, %and3A_515 : vector<128x128xi1>
    %convert_element_type3A_520 = arith.extui %or3A_519 : vector<128x128xi1> to vector<128x128xi32>
    %add3A_521 = arith.addi %sub3A_497, %convert_element_type3A_520 : vector<128x128xi32>
    %convert_element_type3A_522 = arith.extui %ge3A_518 : vector<128x128xi1> to vector<128x128xi32>
    %sub3A_523 = arith.subi %add3A_521, %convert_element_type3A_522 : vector<128x128xi32>
    %get3A_524 = arith.constant 0 : index
    %get3A_525 = arith.constant 20 : index
    %get3A_526 = vector.load %arg2[%get3A_524, %get3A_525] : memref<128x32xi32, #tpu.memory_space<vmem>>, vector<128x1xi32>
    %get3A_527 = vector.shape_cast %get3A_526 : vector<128x1xi32> to vector<128xi32>
    %reshape3A_528 = vector.shape_cast %get3A_527 : vector<128xi32> to vector<128x1xi32>
    %add3A_529 = arith.constant 2560 : i32
    %add3A_530 = vector.broadcast %add3A_529 : i32 to vector<128x1xi32>
    %add3A_531 = arith.addi %add3A_530, %iota3A_0 : vector<128x1xi32>
    %gt3A_532 = vector.broadcast %reshape3A_528 : vector<128x1xi32> to vector<128x128xi32>
    %gt3A_533 = vector.broadcast %reshape3A : vector<1x128xi32> to vector<128x128xi32>
    %gt3A_534 = arith.cmpi sgt, %gt3A_532, %gt3A_533 : vector<128x128xi32>
    %eq3A_535 = vector.broadcast %reshape3A_528 : vector<128x1xi32> to vector<128x128xi32>
    %eq3A_536 = vector.broadcast %reshape3A : vector<1x128xi32> to vector<128x128xi32>
    %eq3A_537 = arith.cmpi eq, %eq3A_535, %eq3A_536 : vector<128x128xi32>
    %lt3A_538 = vector.broadcast %add3A_531 : vector<128x1xi32> to vector<128x128xi32>
    %lt3A_539 = vector.broadcast %add3A_10 : vector<1x128xi32> to vector<128x128xi32>
    %lt3A_540 = arith.cmpi slt, %lt3A_538, %lt3A_539 : vector<128x128xi32>
    %and3A_541 = arith.andi %eq3A_537, %lt3A_540 : vector<128x128xi1>
    %ge3A_542 = vector.broadcast %reshape3A_528 : vector<128x1xi32> to vector<128x128xi32>
    %ge3A_543 = vector.broadcast %reshape3A_8 : vector<1x128xi32> to vector<128x128xi32>
    %ge3A_544 = arith.cmpi sge, %ge3A_542, %ge3A_543 : vector<128x128xi32>
    %or3A_545 = arith.ori %gt3A_534, %and3A_541 : vector<128x128xi1>
    %convert_element_type3A_546 = arith.extui %or3A_545 : vector<128x128xi1> to vector<128x128xi32>
    %add3A_547 = arith.addi %sub3A_523, %convert_element_type3A_546 : vector<128x128xi32>
    %convert_element_type3A_548 = arith.extui %ge3A_544 : vector<128x128xi1> to vector<128x128xi32>
    %sub3A_549 = arith.subi %add3A_547, %convert_element_type3A_548 : vector<128x128xi32>
    %get3A_550 = arith.constant 0 : index
    %get3A_551 = arith.constant 21 : index
    %get3A_552 = vector.load %arg2[%get3A_550, %get3A_551] : memref<128x32xi32, #tpu.memory_space<vmem>>, vector<128x1xi32>
    %get3A_553 = vector.shape_cast %get3A_552 : vector<128x1xi32> to vector<128xi32>
    %reshape3A_554 = vector.shape_cast %get3A_553 : vector<128xi32> to vector<128x1xi32>
    %add3A_555 = arith.constant 2688 : i32
    %add3A_556 = vector.broadcast %add3A_555 : i32 to vector<128x1xi32>
    %add3A_557 = arith.addi %add3A_556, %iota3A_0 : vector<128x1xi32>
    %gt3A_558 = vector.broadcast %reshape3A_554 : vector<128x1xi32> to vector<128x128xi32>
    %gt3A_559 = vector.broadcast %reshape3A : vector<1x128xi32> to vector<128x128xi32>
    %gt3A_560 = arith.cmpi sgt, %gt3A_558, %gt3A_559 : vector<128x128xi32>
    %eq3A_561 = vector.broadcast %reshape3A_554 : vector<128x1xi32> to vector<128x128xi32>
    %eq3A_562 = vector.broadcast %reshape3A : vector<1x128xi32> to vector<128x128xi32>
    %eq3A_563 = arith.cmpi eq, %eq3A_561, %eq3A_562 : vector<128x128xi32>
    %lt3A_564 = vector.broadcast %add3A_557 : vector<128x1xi32> to vector<128x128xi32>
    %lt3A_565 = vector.broadcast %add3A_10 : vector<1x128xi32> to vector<128x128xi32>
    %lt3A_566 = arith.cmpi slt, %lt3A_564, %lt3A_565 : vector<128x128xi32>
    %and3A_567 = arith.andi %eq3A_563, %lt3A_566 : vector<128x128xi1>
    %ge3A_568 = vector.broadcast %reshape3A_554 : vector<128x1xi32> to vector<128x128xi32>
    %ge3A_569 = vector.broadcast %reshape3A_8 : vector<1x128xi32> to vector<128x128xi32>
    %ge3A_570 = arith.cmpi sge, %ge3A_568, %ge3A_569 : vector<128x128xi32>
    %or3A_571 = arith.ori %gt3A_560, %and3A_567 : vector<128x128xi1>
    %convert_element_type3A_572 = arith.extui %or3A_571 : vector<128x128xi1> to vector<128x128xi32>
    %add3A_573 = arith.addi %sub3A_549, %convert_element_type3A_572 : vector<128x128xi32>
    %convert_element_type3A_574 = arith.extui %ge3A_570 : vector<128x128xi1> to vector<128x128xi32>
    %sub3A_575 = arith.subi %add3A_573, %convert_element_type3A_574 : vector<128x128xi32>
    %get3A_576 = arith.constant 0 : index
    %get3A_577 = arith.constant 22 : index
    %get3A_578 = vector.load %arg2[%get3A_576, %get3A_577] : memref<128x32xi32, #tpu.memory_space<vmem>>, vector<128x1xi32>
    %get3A_579 = vector.shape_cast %get3A_578 : vector<128x1xi32> to vector<128xi32>
    %reshape3A_580 = vector.shape_cast %get3A_579 : vector<128xi32> to vector<128x1xi32>
    %add3A_581 = arith.constant 2816 : i32
    %add3A_582 = vector.broadcast %add3A_581 : i32 to vector<128x1xi32>
    %add3A_583 = arith.addi %add3A_582, %iota3A_0 : vector<128x1xi32>
    %gt3A_584 = vector.broadcast %reshape3A_580 : vector<128x1xi32> to vector<128x128xi32>
    %gt3A_585 = vector.broadcast %reshape3A : vector<1x128xi32> to vector<128x128xi32>
    %gt3A_586 = arith.cmpi sgt, %gt3A_584, %gt3A_585 : vector<128x128xi32>
    %eq3A_587 = vector.broadcast %reshape3A_580 : vector<128x1xi32> to vector<128x128xi32>
    %eq3A_588 = vector.broadcast %reshape3A : vector<1x128xi32> to vector<128x128xi32>
    %eq3A_589 = arith.cmpi eq, %eq3A_587, %eq3A_588 : vector<128x128xi32>
    %lt3A_590 = vector.broadcast %add3A_583 : vector<128x1xi32> to vector<128x128xi32>
    %lt3A_591 = vector.broadcast %add3A_10 : vector<1x128xi32> to vector<128x128xi32>
    %lt3A_592 = arith.cmpi slt, %lt3A_590, %lt3A_591 : vector<128x128xi32>
    %and3A_593 = arith.andi %eq3A_589, %lt3A_592 : vector<128x128xi1>
    %ge3A_594 = vector.broadcast %reshape3A_580 : vector<128x1xi32> to vector<128x128xi32>
    %ge3A_595 = vector.broadcast %reshape3A_8 : vector<1x128xi32> to vector<128x128xi32>
    %ge3A_596 = arith.cmpi sge, %ge3A_594, %ge3A_595 : vector<128x128xi32>
    %or3A_597 = arith.ori %gt3A_586, %and3A_593 : vector<128x128xi1>
    %convert_element_type3A_598 = arith.extui %or3A_597 : vector<128x128xi1> to vector<128x128xi32>
    %add3A_599 = arith.addi %sub3A_575, %convert_element_type3A_598 : vector<128x128xi32>
    %convert_element_type3A_600 = arith.extui %ge3A_596 : vector<128x128xi1> to vector<128x128xi32>
    %sub3A_601 = arith.subi %add3A_599, %convert_element_type3A_600 : vector<128x128xi32>
    %get3A_602 = arith.constant 0 : index
    %get3A_603 = arith.constant 23 : index
    %get3A_604 = vector.load %arg2[%get3A_602, %get3A_603] : memref<128x32xi32, #tpu.memory_space<vmem>>, vector<128x1xi32>
    %get3A_605 = vector.shape_cast %get3A_604 : vector<128x1xi32> to vector<128xi32>
    %reshape3A_606 = vector.shape_cast %get3A_605 : vector<128xi32> to vector<128x1xi32>
    %add3A_607 = arith.constant 2944 : i32
    %add3A_608 = vector.broadcast %add3A_607 : i32 to vector<128x1xi32>
    %add3A_609 = arith.addi %add3A_608, %iota3A_0 : vector<128x1xi32>
    %gt3A_610 = vector.broadcast %reshape3A_606 : vector<128x1xi32> to vector<128x128xi32>
    %gt3A_611 = vector.broadcast %reshape3A : vector<1x128xi32> to vector<128x128xi32>
    %gt3A_612 = arith.cmpi sgt, %gt3A_610, %gt3A_611 : vector<128x128xi32>
    %eq3A_613 = vector.broadcast %reshape3A_606 : vector<128x1xi32> to vector<128x128xi32>
    %eq3A_614 = vector.broadcast %reshape3A : vector<1x128xi32> to vector<128x128xi32>
    %eq3A_615 = arith.cmpi eq, %eq3A_613, %eq3A_614 : vector<128x128xi32>
    %lt3A_616 = vector.broadcast %add3A_609 : vector<128x1xi32> to vector<128x128xi32>
    %lt3A_617 = vector.broadcast %add3A_10 : vector<1x128xi32> to vector<128x128xi32>
    %lt3A_618 = arith.cmpi slt, %lt3A_616, %lt3A_617 : vector<128x128xi32>
    %and3A_619 = arith.andi %eq3A_615, %lt3A_618 : vector<128x128xi1>
    %ge3A_620 = vector.broadcast %reshape3A_606 : vector<128x1xi32> to vector<128x128xi32>
    %ge3A_621 = vector.broadcast %reshape3A_8 : vector<1x128xi32> to vector<128x128xi32>
    %ge3A_622 = arith.cmpi sge, %ge3A_620, %ge3A_621 : vector<128x128xi32>
    %or3A_623 = arith.ori %gt3A_612, %and3A_619 : vector<128x128xi1>
    %convert_element_type3A_624 = arith.extui %or3A_623 : vector<128x128xi1> to vector<128x128xi32>
    %add3A_625 = arith.addi %sub3A_601, %convert_element_type3A_624 : vector<128x128xi32>
    %convert_element_type3A_626 = arith.extui %ge3A_622 : vector<128x128xi1> to vector<128x128xi32>
    %sub3A_627 = arith.subi %add3A_625, %convert_element_type3A_626 : vector<128x128xi32>
    %get3A_628 = arith.constant 0 : index
    %get3A_629 = arith.constant 24 : index
    %get3A_630 = vector.load %arg2[%get3A_628, %get3A_629] : memref<128x32xi32, #tpu.memory_space<vmem>>, vector<128x1xi32>
    %get3A_631 = vector.shape_cast %get3A_630 : vector<128x1xi32> to vector<128xi32>
    %reshape3A_632 = vector.shape_cast %get3A_631 : vector<128xi32> to vector<128x1xi32>
    %add3A_633 = arith.constant 3072 : i32
    %add3A_634 = vector.broadcast %add3A_633 : i32 to vector<128x1xi32>
    %add3A_635 = arith.addi %add3A_634, %iota3A_0 : vector<128x1xi32>
    %gt3A_636 = vector.broadcast %reshape3A_632 : vector<128x1xi32> to vector<128x128xi32>
    %gt3A_637 = vector.broadcast %reshape3A : vector<1x128xi32> to vector<128x128xi32>
    %gt3A_638 = arith.cmpi sgt, %gt3A_636, %gt3A_637 : vector<128x128xi32>
    %eq3A_639 = vector.broadcast %reshape3A_632 : vector<128x1xi32> to vector<128x128xi32>
    %eq3A_640 = vector.broadcast %reshape3A : vector<1x128xi32> to vector<128x128xi32>
    %eq3A_641 = arith.cmpi eq, %eq3A_639, %eq3A_640 : vector<128x128xi32>
    %lt3A_642 = vector.broadcast %add3A_635 : vector<128x1xi32> to vector<128x128xi32>
    %lt3A_643 = vector.broadcast %add3A_10 : vector<1x128xi32> to vector<128x128xi32>
    %lt3A_644 = arith.cmpi slt, %lt3A_642, %lt3A_643 : vector<128x128xi32>
    %and3A_645 = arith.andi %eq3A_641, %lt3A_644 : vector<128x128xi1>
    %ge3A_646 = vector.broadcast %reshape3A_632 : vector<128x1xi32> to vector<128x128xi32>
    %ge3A_647 = vector.broadcast %reshape3A_8 : vector<1x128xi32> to vector<128x128xi32>
    %ge3A_648 = arith.cmpi sge, %ge3A_646, %ge3A_647 : vector<128x128xi32>
    %or3A_649 = arith.ori %gt3A_638, %and3A_645 : vector<128x128xi1>
    %convert_element_type3A_650 = arith.extui %or3A_649 : vector<128x128xi1> to vector<128x128xi32>
    %add3A_651 = arith.addi %sub3A_627, %convert_element_type3A_650 : vector<128x128xi32>
    %convert_element_type3A_652 = arith.extui %ge3A_648 : vector<128x128xi1> to vector<128x128xi32>
    %sub3A_653 = arith.subi %add3A_651, %convert_element_type3A_652 : vector<128x128xi32>
    %get3A_654 = arith.constant 0 : index
    %get3A_655 = arith.constant 25 : index
    %get3A_656 = vector.load %arg2[%get3A_654, %get3A_655] : memref<128x32xi32, #tpu.memory_space<vmem>>, vector<128x1xi32>
    %get3A_657 = vector.shape_cast %get3A_656 : vector<128x1xi32> to vector<128xi32>
    %reshape3A_658 = vector.shape_cast %get3A_657 : vector<128xi32> to vector<128x1xi32>
    %add3A_659 = arith.constant 3200 : i32
    %add3A_660 = vector.broadcast %add3A_659 : i32 to vector<128x1xi32>
    %add3A_661 = arith.addi %add3A_660, %iota3A_0 : vector<128x1xi32>
    %gt3A_662 = vector.broadcast %reshape3A_658 : vector<128x1xi32> to vector<128x128xi32>
    %gt3A_663 = vector.broadcast %reshape3A : vector<1x128xi32> to vector<128x128xi32>
    %gt3A_664 = arith.cmpi sgt, %gt3A_662, %gt3A_663 : vector<128x128xi32>
    %eq3A_665 = vector.broadcast %reshape3A_658 : vector<128x1xi32> to vector<128x128xi32>
    %eq3A_666 = vector.broadcast %reshape3A : vector<1x128xi32> to vector<128x128xi32>
    %eq3A_667 = arith.cmpi eq, %eq3A_665, %eq3A_666 : vector<128x128xi32>
    %lt3A_668 = vector.broadcast %add3A_661 : vector<128x1xi32> to vector<128x128xi32>
    %lt3A_669 = vector.broadcast %add3A_10 : vector<1x128xi32> to vector<128x128xi32>
    %lt3A_670 = arith.cmpi slt, %lt3A_668, %lt3A_669 : vector<128x128xi32>
    %and3A_671 = arith.andi %eq3A_667, %lt3A_670 : vector<128x128xi1>
    %ge3A_672 = vector.broadcast %reshape3A_658 : vector<128x1xi32> to vector<128x128xi32>
    %ge3A_673 = vector.broadcast %reshape3A_8 : vector<1x128xi32> to vector<128x128xi32>
    %ge3A_674 = arith.cmpi sge, %ge3A_672, %ge3A_673 : vector<128x128xi32>
    %or3A_675 = arith.ori %gt3A_664, %and3A_671 : vector<128x128xi1>
    %convert_element_type3A_676 = arith.extui %or3A_675 : vector<128x128xi1> to vector<128x128xi32>
    %add3A_677 = arith.addi %sub3A_653, %convert_element_type3A_676 : vector<128x128xi32>
    %convert_element_type3A_678 = arith.extui %ge3A_674 : vector<128x128xi1> to vector<128x128xi32>
    %sub3A_679 = arith.subi %add3A_677, %convert_element_type3A_678 : vector<128x128xi32>
    %get3A_680 = arith.constant 0 : index
    %get3A_681 = arith.constant 26 : index
    %get3A_682 = vector.load %arg2[%get3A_680, %get3A_681] : memref<128x32xi32, #tpu.memory_space<vmem>>, vector<128x1xi32>
    %get3A_683 = vector.shape_cast %get3A_682 : vector<128x1xi32> to vector<128xi32>
    %reshape3A_684 = vector.shape_cast %get3A_683 : vector<128xi32> to vector<128x1xi32>
    %add3A_685 = arith.constant 3328 : i32
    %add3A_686 = vector.broadcast %add3A_685 : i32 to vector<128x1xi32>
    %add3A_687 = arith.addi %add3A_686, %iota3A_0 : vector<128x1xi32>
    %gt3A_688 = vector.broadcast %reshape3A_684 : vector<128x1xi32> to vector<128x128xi32>
    %gt3A_689 = vector.broadcast %reshape3A : vector<1x128xi32> to vector<128x128xi32>
    %gt3A_690 = arith.cmpi sgt, %gt3A_688, %gt3A_689 : vector<128x128xi32>
    %eq3A_691 = vector.broadcast %reshape3A_684 : vector<128x1xi32> to vector<128x128xi32>
    %eq3A_692 = vector.broadcast %reshape3A : vector<1x128xi32> to vector<128x128xi32>
    %eq3A_693 = arith.cmpi eq, %eq3A_691, %eq3A_692 : vector<128x128xi32>
    %lt3A_694 = vector.broadcast %add3A_687 : vector<128x1xi32> to vector<128x128xi32>
    %lt3A_695 = vector.broadcast %add3A_10 : vector<1x128xi32> to vector<128x128xi32>
    %lt3A_696 = arith.cmpi slt, %lt3A_694, %lt3A_695 : vector<128x128xi32>
    %and3A_697 = arith.andi %eq3A_693, %lt3A_696 : vector<128x128xi1>
    %ge3A_698 = vector.broadcast %reshape3A_684 : vector<128x1xi32> to vector<128x128xi32>
    %ge3A_699 = vector.broadcast %reshape3A_8 : vector<1x128xi32> to vector<128x128xi32>
    %ge3A_700 = arith.cmpi sge, %ge3A_698, %ge3A_699 : vector<128x128xi32>
    %or3A_701 = arith.ori %gt3A_690, %and3A_697 : vector<128x128xi1>
    %convert_element_type3A_702 = arith.extui %or3A_701 : vector<128x128xi1> to vector<128x128xi32>
    %add3A_703 = arith.addi %sub3A_679, %convert_element_type3A_702 : vector<128x128xi32>
    %convert_element_type3A_704 = arith.extui %ge3A_700 : vector<128x128xi1> to vector<128x128xi32>
    %sub3A_705 = arith.subi %add3A_703, %convert_element_type3A_704 : vector<128x128xi32>
    %get3A_706 = arith.constant 0 : index
    %get3A_707 = arith.constant 27 : index
    %get3A_708 = vector.load %arg2[%get3A_706, %get3A_707] : memref<128x32xi32, #tpu.memory_space<vmem>>, vector<128x1xi32>
    %get3A_709 = vector.shape_cast %get3A_708 : vector<128x1xi32> to vector<128xi32>
    %reshape3A_710 = vector.shape_cast %get3A_709 : vector<128xi32> to vector<128x1xi32>
    %add3A_711 = arith.constant 3456 : i32
    %add3A_712 = vector.broadcast %add3A_711 : i32 to vector<128x1xi32>
    %add3A_713 = arith.addi %add3A_712, %iota3A_0 : vector<128x1xi32>
    %gt3A_714 = vector.broadcast %reshape3A_710 : vector<128x1xi32> to vector<128x128xi32>
    %gt3A_715 = vector.broadcast %reshape3A : vector<1x128xi32> to vector<128x128xi32>
    %gt3A_716 = arith.cmpi sgt, %gt3A_714, %gt3A_715 : vector<128x128xi32>
    %eq3A_717 = vector.broadcast %reshape3A_710 : vector<128x1xi32> to vector<128x128xi32>
    %eq3A_718 = vector.broadcast %reshape3A : vector<1x128xi32> to vector<128x128xi32>
    %eq3A_719 = arith.cmpi eq, %eq3A_717, %eq3A_718 : vector<128x128xi32>
    %lt3A_720 = vector.broadcast %add3A_713 : vector<128x1xi32> to vector<128x128xi32>
    %lt3A_721 = vector.broadcast %add3A_10 : vector<1x128xi32> to vector<128x128xi32>
    %lt3A_722 = arith.cmpi slt, %lt3A_720, %lt3A_721 : vector<128x128xi32>
    %and3A_723 = arith.andi %eq3A_719, %lt3A_722 : vector<128x128xi1>
    %ge3A_724 = vector.broadcast %reshape3A_710 : vector<128x1xi32> to vector<128x128xi32>
    %ge3A_725 = vector.broadcast %reshape3A_8 : vector<1x128xi32> to vector<128x128xi32>
    %ge3A_726 = arith.cmpi sge, %ge3A_724, %ge3A_725 : vector<128x128xi32>
    %or3A_727 = arith.ori %gt3A_716, %and3A_723 : vector<128x128xi1>
    %convert_element_type3A_728 = arith.extui %or3A_727 : vector<128x128xi1> to vector<128x128xi32>
    %add3A_729 = arith.addi %sub3A_705, %convert_element_type3A_728 : vector<128x128xi32>
    %convert_element_type3A_730 = arith.extui %ge3A_726 : vector<128x128xi1> to vector<128x128xi32>
    %sub3A_731 = arith.subi %add3A_729, %convert_element_type3A_730 : vector<128x128xi32>
    %get3A_732 = arith.constant 0 : index
    %get3A_733 = arith.constant 28 : index
    %get3A_734 = vector.load %arg2[%get3A_732, %get3A_733] : memref<128x32xi32, #tpu.memory_space<vmem>>, vector<128x1xi32>
    %get3A_735 = vector.shape_cast %get3A_734 : vector<128x1xi32> to vector<128xi32>
    %reshape3A_736 = vector.shape_cast %get3A_735 : vector<128xi32> to vector<128x1xi32>
    %add3A_737 = arith.constant 3584 : i32
    %add3A_738 = vector.broadcast %add3A_737 : i32 to vector<128x1xi32>
    %add3A_739 = arith.addi %add3A_738, %iota3A_0 : vector<128x1xi32>
    %gt3A_740 = vector.broadcast %reshape3A_736 : vector<128x1xi32> to vector<128x128xi32>
    %gt3A_741 = vector.broadcast %reshape3A : vector<1x128xi32> to vector<128x128xi32>
    %gt3A_742 = arith.cmpi sgt, %gt3A_740, %gt3A_741 : vector<128x128xi32>
    %eq3A_743 = vector.broadcast %reshape3A_736 : vector<128x1xi32> to vector<128x128xi32>
    %eq3A_744 = vector.broadcast %reshape3A : vector<1x128xi32> to vector<128x128xi32>
    %eq3A_745 = arith.cmpi eq, %eq3A_743, %eq3A_744 : vector<128x128xi32>
    %lt3A_746 = vector.broadcast %add3A_739 : vector<128x1xi32> to vector<128x128xi32>
    %lt3A_747 = vector.broadcast %add3A_10 : vector<1x128xi32> to vector<128x128xi32>
    %lt3A_748 = arith.cmpi slt, %lt3A_746, %lt3A_747 : vector<128x128xi32>
    %and3A_749 = arith.andi %eq3A_745, %lt3A_748 : vector<128x128xi1>
    %ge3A_750 = vector.broadcast %reshape3A_736 : vector<128x1xi32> to vector<128x128xi32>
    %ge3A_751 = vector.broadcast %reshape3A_8 : vector<1x128xi32> to vector<128x128xi32>
    %ge3A_752 = arith.cmpi sge, %ge3A_750, %ge3A_751 : vector<128x128xi32>
    %or3A_753 = arith.ori %gt3A_742, %and3A_749 : vector<128x128xi1>
    %convert_element_type3A_754 = arith.extui %or3A_753 : vector<128x128xi1> to vector<128x128xi32>
    %add3A_755 = arith.addi %sub3A_731, %convert_element_type3A_754 : vector<128x128xi32>
    %convert_element_type3A_756 = arith.extui %ge3A_752 : vector<128x128xi1> to vector<128x128xi32>
    %sub3A_757 = arith.subi %add3A_755, %convert_element_type3A_756 : vector<128x128xi32>
    %get3A_758 = arith.constant 0 : index
    %get3A_759 = arith.constant 29 : index
    %get3A_760 = vector.load %arg2[%get3A_758, %get3A_759] : memref<128x32xi32, #tpu.memory_space<vmem>>, vector<128x1xi32>
    %get3A_761 = vector.shape_cast %get3A_760 : vector<128x1xi32> to vector<128xi32>
    %reshape3A_762 = vector.shape_cast %get3A_761 : vector<128xi32> to vector<128x1xi32>
    %add3A_763 = arith.constant 3712 : i32
    %add3A_764 = vector.broadcast %add3A_763 : i32 to vector<128x1xi32>
    %add3A_765 = arith.addi %add3A_764, %iota3A_0 : vector<128x1xi32>
    %gt3A_766 = vector.broadcast %reshape3A_762 : vector<128x1xi32> to vector<128x128xi32>
    %gt3A_767 = vector.broadcast %reshape3A : vector<1x128xi32> to vector<128x128xi32>
    %gt3A_768 = arith.cmpi sgt, %gt3A_766, %gt3A_767 : vector<128x128xi32>
    %eq3A_769 = vector.broadcast %reshape3A_762 : vector<128x1xi32> to vector<128x128xi32>
    %eq3A_770 = vector.broadcast %reshape3A : vector<1x128xi32> to vector<128x128xi32>
    %eq3A_771 = arith.cmpi eq, %eq3A_769, %eq3A_770 : vector<128x128xi32>
    %lt3A_772 = vector.broadcast %add3A_765 : vector<128x1xi32> to vector<128x128xi32>
    %lt3A_773 = vector.broadcast %add3A_10 : vector<1x128xi32> to vector<128x128xi32>
    %lt3A_774 = arith.cmpi slt, %lt3A_772, %lt3A_773 : vector<128x128xi32>
    %and3A_775 = arith.andi %eq3A_771, %lt3A_774 : vector<128x128xi1>
    %ge3A_776 = vector.broadcast %reshape3A_762 : vector<128x1xi32> to vector<128x128xi32>
    %ge3A_777 = vector.broadcast %reshape3A_8 : vector<1x128xi32> to vector<128x128xi32>
    %ge3A_778 = arith.cmpi sge, %ge3A_776, %ge3A_777 : vector<128x128xi32>
    %or3A_779 = arith.ori %gt3A_768, %and3A_775 : vector<128x128xi1>
    %convert_element_type3A_780 = arith.extui %or3A_779 : vector<128x128xi1> to vector<128x128xi32>
    %add3A_781 = arith.addi %sub3A_757, %convert_element_type3A_780 : vector<128x128xi32>
    %convert_element_type3A_782 = arith.extui %ge3A_778 : vector<128x128xi1> to vector<128x128xi32>
    %sub3A_783 = arith.subi %add3A_781, %convert_element_type3A_782 : vector<128x128xi32>
    %get3A_784 = arith.constant 0 : index
    %get3A_785 = arith.constant 30 : index
    %get3A_786 = vector.load %arg2[%get3A_784, %get3A_785] : memref<128x32xi32, #tpu.memory_space<vmem>>, vector<128x1xi32>
    %get3A_787 = vector.shape_cast %get3A_786 : vector<128x1xi32> to vector<128xi32>
    %reshape3A_788 = vector.shape_cast %get3A_787 : vector<128xi32> to vector<128x1xi32>
    %add3A_789 = arith.constant 3840 : i32
    %add3A_790 = vector.broadcast %add3A_789 : i32 to vector<128x1xi32>
    %add3A_791 = arith.addi %add3A_790, %iota3A_0 : vector<128x1xi32>
    %gt3A_792 = vector.broadcast %reshape3A_788 : vector<128x1xi32> to vector<128x128xi32>
    %gt3A_793 = vector.broadcast %reshape3A : vector<1x128xi32> to vector<128x128xi32>
    %gt3A_794 = arith.cmpi sgt, %gt3A_792, %gt3A_793 : vector<128x128xi32>
    %eq3A_795 = vector.broadcast %reshape3A_788 : vector<128x1xi32> to vector<128x128xi32>
    %eq3A_796 = vector.broadcast %reshape3A : vector<1x128xi32> to vector<128x128xi32>
    %eq3A_797 = arith.cmpi eq, %eq3A_795, %eq3A_796 : vector<128x128xi32>
    %lt3A_798 = vector.broadcast %add3A_791 : vector<128x1xi32> to vector<128x128xi32>
    %lt3A_799 = vector.broadcast %add3A_10 : vector<1x128xi32> to vector<128x128xi32>
    %lt3A_800 = arith.cmpi slt, %lt3A_798, %lt3A_799 : vector<128x128xi32>
    %and3A_801 = arith.andi %eq3A_797, %lt3A_800 : vector<128x128xi1>
    %ge3A_802 = vector.broadcast %reshape3A_788 : vector<128x1xi32> to vector<128x128xi32>
    %ge3A_803 = vector.broadcast %reshape3A_8 : vector<1x128xi32> to vector<128x128xi32>
    %ge3A_804 = arith.cmpi sge, %ge3A_802, %ge3A_803 : vector<128x128xi32>
    %or3A_805 = arith.ori %gt3A_794, %and3A_801 : vector<128x128xi1>
    %convert_element_type3A_806 = arith.extui %or3A_805 : vector<128x128xi1> to vector<128x128xi32>
    %add3A_807 = arith.addi %sub3A_783, %convert_element_type3A_806 : vector<128x128xi32>
    %convert_element_type3A_808 = arith.extui %ge3A_804 : vector<128x128xi1> to vector<128x128xi32>
    %sub3A_809 = arith.subi %add3A_807, %convert_element_type3A_808 : vector<128x128xi32>
    %get3A_810 = arith.constant 0 : index
    %get3A_811 = arith.constant 31 : index
    %get3A_812 = vector.load %arg2[%get3A_810, %get3A_811] : memref<128x32xi32, #tpu.memory_space<vmem>>, vector<128x1xi32>
    %get3A_813 = vector.shape_cast %get3A_812 : vector<128x1xi32> to vector<128xi32>
    %reshape3A_814 = vector.shape_cast %get3A_813 : vector<128xi32> to vector<128x1xi32>
    %add3A_815 = arith.constant 3968 : i32
    %add3A_816 = vector.broadcast %add3A_815 : i32 to vector<128x1xi32>
    %add3A_817 = arith.addi %add3A_816, %iota3A_0 : vector<128x1xi32>
    %gt3A_818 = vector.broadcast %reshape3A_814 : vector<128x1xi32> to vector<128x128xi32>
    %gt3A_819 = vector.broadcast %reshape3A : vector<1x128xi32> to vector<128x128xi32>
    %gt3A_820 = arith.cmpi sgt, %gt3A_818, %gt3A_819 : vector<128x128xi32>
    %eq3A_821 = vector.broadcast %reshape3A_814 : vector<128x1xi32> to vector<128x128xi32>
    %eq3A_822 = vector.broadcast %reshape3A : vector<1x128xi32> to vector<128x128xi32>
    %eq3A_823 = arith.cmpi eq, %eq3A_821, %eq3A_822 : vector<128x128xi32>
    %lt3A_824 = vector.broadcast %add3A_817 : vector<128x1xi32> to vector<128x128xi32>
    %lt3A_825 = vector.broadcast %add3A_10 : vector<1x128xi32> to vector<128x128xi32>
    %lt3A_826 = arith.cmpi slt, %lt3A_824, %lt3A_825 : vector<128x128xi32>
    %and3A_827 = arith.andi %eq3A_823, %lt3A_826 : vector<128x128xi1>
    %ge3A_828 = vector.broadcast %reshape3A_814 : vector<128x1xi32> to vector<128x128xi32>
    %ge3A_829 = vector.broadcast %reshape3A_8 : vector<1x128xi32> to vector<128x128xi32>
    %ge3A_830 = arith.cmpi sge, %ge3A_828, %ge3A_829 : vector<128x128xi32>
    %or3A_831 = arith.ori %gt3A_820, %and3A_827 : vector<128x128xi1>
    %convert_element_type3A_832 = arith.extui %or3A_831 : vector<128x128xi1> to vector<128x128xi32>
    %add3A_833 = arith.addi %sub3A_809, %convert_element_type3A_832 : vector<128x128xi32>
    %convert_element_type3A_834 = arith.extui %ge3A_830 : vector<128x128xi1> to vector<128x128xi32>
    %sub3A_835 = arith.subi %add3A_833, %convert_element_type3A_834 : vector<128x128xi32>
    %reduce_sum3A = arith.constant dense<0> : vector<128xi32>
    %reduce_sum3A_836 = vector.multi_reduction <add>, %sub3A_835, %reduce_sum3A [0] : vector<128x128xi32> to vector<128xi32>
    %broadcast_in_dim3A_837 = vector.shape_cast %reduce_sum3A_836 : vector<128xi32> to vector<1x128xi32>
    %get3A_838 = arith.index_cast %arg0 : i32 to index
    %get3A_839 = arith.constant 0 : index
    %get3A_840 = vector.load %arg4[%get3A_838, %get3A_839] : memref<32x128xi32, #tpu.memory_space<vmem>>, vector<1x128xi32>
    %get3A_841 = vector.shape_cast %get3A_840 : vector<1x128xi32> to vector<128xi32>
    %reshape3A_842 = vector.shape_cast %get3A_841 : vector<128xi32> to vector<1x128xi32>
    %lt3A_843 = arith.constant 96 : i32
    %lt3A_844 = vector.broadcast %lt3A_843 : i32 to vector<1x128xi32>
    %lt3A_845 = arith.cmpi slt, %broadcast_in_dim3A_837, %lt3A_844 : vector<1x128xi32>
    %mul3A_846 = arith.constant 96 : i32
    %mul3A_847 = vector.broadcast %mul3A_846 : i32 to vector<1x128xi32>
    %mul3A_848 = arith.muli %reshape3A_842, %mul3A_847 : vector<1x128xi32>
    %add3A_849 = arith.addi %mul3A_848, %broadcast_in_dim3A_837 : vector<1x128xi32>
    %jit3A = arith.constant -1 : i32
    %broadcast_in_dim3A_850 = vector.broadcast %jit3A : i32 to vector<1x128xi32>
    %select_n3A = arith.select %lt3A_845, %add3A_849, %broadcast_in_dim3A_850 : vector<1x128xi1>, vector<1x128xi32>
    %reshape3A_851 = vector.shape_cast %select_n3A : vector<1x128xi32> to vector<1x1x128xi32>
    %swap3A = arith.constant 0 : index
    %swap3A_852 = arith.constant 0 : index
    %swap3A_853 = arith.constant 0 : index
    %swap3A_854 = vector.load %arg7[%swap3A, %swap3A_852, %swap3A_853] : memref<1x1x128xi32, #tpu.memory_space<vmem>>, vector<1x1x128xi32>
    tpu.vector_store %arg7[%swap3A, %swap3A_852, %swap3A_853], %reshape3A_851 {strides = array<i32>} : memref<1x1x128xi32, #tpu.memory_space<vmem>>, vector<1x1x128xi32>,
    %get3A_855 = arith.index_cast %arg0 : i32 to index
    %get3A_856 = arith.constant 0 : index
    %get3A_857 = vector.load %arg5[%get3A_855, %get3A_856] : memref<32x128xf32, #tpu.memory_space<vmem>>, vector<1x128xf32>
    %get3A_858 = vector.shape_cast %get3A_857 : vector<1x128xf32> to vector<128xf32>
    %reshape3A_859 = vector.shape_cast %get3A_858 : vector<128xf32> to vector<1x1x128xf32>
    %iota3A_860 = tpu.iota {dimensions = array<i32: 0>} : vector<64x96x1xi32>
    %mul3A_861 = arith.constant 96 : i32
    %mul3A_862 = vector.broadcast %mul3A_861 : i32 to vector<64x96x1xi32>
    %mul3A_863 = arith.muli %iota3A_860, %mul3A_862 : vector<64x96x1xi32>
    %iota3A_864 = tpu.iota {dimensions = array<i32: 1>} : vector<64x96x1xi32>
    %add3A_865 = arith.addi %mul3A_863, %iota3A_864 : vector<64x96x1xi32>
    %eq3A_866 = vector.broadcast %add3A_865 : vector<64x96x1xi32> to vector<64x96x128xi32>
    %eq3A_867 = vector.broadcast %reshape3A_851 : vector<1x1x128xi32> to vector<64x96x128xi32>
    %eq3A_868 = arith.cmpi eq, %eq3A_866, %eq3A_867 : vector<64x96x128xi32>
    %jit3A_869 = arith.constant 0.000000e+00 : f32
    %broadcast_in_dim3A_870 = vector.shape_cast %reshape3A_859 : vector<1x1x128xf32> to vector<1x1x128xf32>
    %broadcast_in_dim3A_871 = vector.broadcast %broadcast_in_dim3A_870 : vector<1x1x128xf32> to vector<64x96x128xf32>
    %broadcast_in_dim3A_872 = vector.broadcast %jit3A_869 : f32 to vector<64x96x128xf32>
    %select_n3A_873 = arith.select %eq3A_868, %broadcast_in_dim3A_871, %broadcast_in_dim3A_872 : vector<64x96x128xi1>, vector<64x96x128xf32>
    %swap3A_874 = arith.constant 0 : index
    %swap3A_875 = arith.constant 0 : index
    %swap3A_876 = arith.constant 0 : index
    %swap3A_877 = vector.load %arg6[%swap3A_874, %swap3A_875, %swap3A_876] : memref<64x96x128xf32, #tpu.memory_space<vmem>>, vector<64x96x128xf32>
    tpu.vector_store %arg6[%swap3A_874, %swap3A_875, %swap3A_876], %select_n3A_873 {strides = array<i32>} : memref<64x96x128xf32, #tpu.memory_space<vmem>>, vector<64x96x128xf32>,
    return
  }
  func.func @transform_0(%arg0: i32) -> (i32, i32) {
    %c0_i32 = arith.constant 0 : i32
    %c0_i32_0 = arith.constant 0 : i32
    %c0_i32_1 = arith.constant 0 : i32
    return %c0_i32, %c0_i32_0 : i32, i32
  }
  func.func @transform_1(%arg0: i32) -> (i32, i32) {
    %c0_i32 = arith.constant 0 : i32
    %c0_i32_0 = arith.constant 0 : i32
    %c0_i32_1 = arith.constant 0 : i32
    return %c0_i32, %c0_i32_0 : i32, i32
  }
  func.func @transform_2(%arg0: i32) -> (i32, i32) {
    %c0_i32 = arith.constant 0 : i32
    %c0_i32_0 = arith.constant 0 : i32
    %c0_i32_1 = arith.constant 0 : i32
    return %c0_i32, %c0_i32_0 : i32, i32
  }
  func.func @transform_3(%arg0: i32) -> (i32, i32) {
    %c0_i32 = arith.constant 0 : i32
    %c0_i32_0 = arith.constant 0 : i32
    %c0_i32_1 = arith.constant 0 : i32
    return %c0_i32, %c0_i32_0 : i32, i32
  }
  func.func @transform_4(%arg0: i32) -> (i32, i32) {
    %c0_i32 = arith.constant 0 : i32
    %c0_i32_0 = arith.constant 0 : i32
    %c0_i32_1 = arith.constant 0 : i32
    return %c0_i32, %c0_i32_0 : i32, i32
  }
  func.func @transform_5(%arg0: i32) -> (i32, i32, i32) {
    %c0_i32 = arith.constant 0 : i32
    %c0_i32_0 = arith.constant 0 : i32
    %c0_i32_1 = arith.constant 0 : i32
    return %c0_i32, %c0_i32_0, %arg0 : i32, i32, i32
  }
  func.func @transform_6(%arg0: i32) -> (i32, i32, i32) {
    %c0_i32 = arith.constant 0 : i32
    %c0_i32_0 = arith.constant 0 : i32
    %c0_i32_1 = arith.constant 0 : i32
    return %arg0, %c0_i32, %c0_i32_0 : i32, i32, i32
  }
}

</mosaic_0001>

<sc_bundles>
// kernel: gather_offload_async_start
scs
__scs_entry_jumppad:
0x0: {  	(pc) =	sbr.rel $0x88, $3  }
0x1: {  	(tag) =	ssettag $0x0;
	lr =	simm.s32 $0x1  }
0x2: {  	[smem:$0x3F9F] =	sst lr;
	_ =	strace $0xD0000000  }
0x3: {  	_ = 	snop  }
0x4: {  	_ = 	snop  }
0x5: {  	_ = 	snop  }
0x6: {  	_ = 	snop  }
0x7: {  	_ = 	snop  }
__scs_overlays_trampoline_lowered:
0x8: {  	[smem:$0x3FAE] =	sst s0  }
0x9: {  	[smem:$0x3FAF] =	sst s1  }
0xa: {  	[smem:$0x3FB0] =	sst s2  }
0xb: {  	[smem:$0x3FB1] =	sst s3  }
0xc: {  	[smem:$0x3FB2] =	sst s4  }
0xd: {  	[smem:$0x3FB3] =	sst s5  }
0xe: {  	[smem:$0x3FB4] =	sst s6  }
0xf: {  	[smem:$0x3FB5] =	sst s7  }
0x10: {  	[smem:$0x3FB6] =	sst s8  }
0x11: {  	[smem:$0x3FB7] =	sst s9;
	s0 =	simm.s32 @!p0 $0x0  }
0x12: {  	s1 =	sld [smem:$0x3F9D];
	s0 =	simm.s32 @p0 $0x1  }
0x13: {  	[smem:$0x3FB8] =	sst s0;
	s0 =	simm.s32 @!p1 $0x0  }
0x14: {  	s2 =	sld [smem:$0x3F9C];
	s0 =	simm.s32 @p1 $0x1  }
0x15: {  	[smem:$0x3FB9] =	sst s0;
	s0 =	simm.s32 @!p2 $0x0  }
0x16: {  	s3 =	sld [smem:$0x3FDB];
	s0 =	simm.s32 @p2 $0x1  }
0x17: {  	s4 =	simm.s32 $0x1BF5;
	[smem:$0x3FBB] =	sst s0  }
0x18: {  	s0 =	sld [smem:$0x3F9E];
	_ =	swait.ge [sflag:s4], $0x0  }
0x19: {  	s7 =	sld [smem:$0x3F9F]  }
0x1a: {  	s8 =	sadd.s32 $0xFFFFE003, lr  }
0x1b: {  	s9 =	sadd.s32 $0xFFFFFEF7, lr;
	s5 =	simm.s32 $0xFFFFFFFF;
	p2 =	slt.u32 s8, $0xFFFFF086  }
0x1c: {  	p1 =	slt.u32 s9, $0xF7A;
	s5 =	simm.s32 @!p2 $0x0  }
0x1d: {  	s5 =	simm.s32 @p1 $0x1;
	p0 =	seq.s32 s7, s2  }
0x1e: {  	s7 =	smul.u32 @!p0 $0xF7A, s2;
	p2 =	seq.s32 @!p0 s5, $0x0  }
0x1f: {  	s9 =	smul.u32 $0xF7A, s1;
	s8 =	simm.s32 @!p0 $0x1BF5;
	p2 =	por !p2, p0  }
0x20: {  	[sflag:s8] =	ssyncset.s32 @!p0 $0xFFFFF086;
	s6 =	sadd.s32 @!p0 s3, s7;
	s7 =	simm.s32 @!p0 $0x108  }
0x21: {  	s3 =	sadd.s32 s3, s9;
	s6 =	sadd.s32 @!p0 $0x88, s6;
	s7 =	simm.s32 @p2 $0x1082  }
0x22: {  	[simem:s7], [sflag:s8] =	dma.local @!p0 [hbm:s6], $0xF7A  }
0x23: {  	s9 =	sor.u32 $0xD0000000, s2;
	s6 =	simm.s32 $0x108;
	_ =	swait.ge @!p0 [sflag:s8], $0x0  }
0x24: {  	s3 =	sadd.s32 $0x88, s3;
	s6 =	simm.s32 @!p1 $0x1082;
	[sflag:s4] =	ssyncset.s32 $0xFFFFF086  }
0x25: {  	[simem:s6], [sflag:s4] =	dma.local [hbm:s3], $0xF7A  }
0x26: {  	[smem:$0x3F9F] =	sst s1;
	(tag) =	ssettag s2;
	_ =	strace s9  }
0x27: {  	s1 =	sld [smem:$0x3FAF]  }
0x28: {  	s2 =	sld [smem:$0x3FB0]  }
0x29: {  	s4 =	sld [smem:$0x3FB2]  }
0x2a: {  	p0 =	seq.s32 s5, $0x0;
	s5 =	sld [smem:$0x3FB3]  }
0x2b: {  	s6 =	sld [smem:$0x3FB4]  }
0x2c: {  	s7 =	sld [smem:$0x3FB5]  }
0x2d: {  	s3 =	simm.s32 $0x108;
	s8 =	sld [smem:$0x3FB6]  }
0x2e: {  	s3 =	simm.s32 @!p0 $0x1082;
	s9 =	sld [smem:$0x3FB7]  }
0x2f: {  	lr =	sadd.s32 s0, s3;
	s0 =	sld [smem:$0x3FAE]  }
0x30: {  	s3 =	sld [smem:$0x3FB1]  }
0x31: {  	[smem:$0x3FBA] =	sst s10  }
0x32: {  	s10 =	sld [smem:$0x3FB8];
	_ =	sdelay $0x3  }
0x33: {  	p0 =	seq.s32 s10, $0x1;
	s10 =	sld [smem:$0x3FBA];
	_ =	sdelay $0x3  }
0x34: {  	[smem:$0x3FBA] =	sst s10  }
0x35: {  	s10 =	sld [smem:$0x3FB9];
	_ =	sdelay $0x3  }
0x36: {  	p1 =	seq.s32 s10, $0x1;
	s10 =	sld [smem:$0x3FBA];
	_ =	sdelay $0x3  }
0x37: {  	[smem:$0x3FBA] =	sst s10  }
0x38: {  	s10 =	sld [smem:$0x3FBB]  }
0x39: {  	_ = 	snop;
	(pc) =	sbr.ind lr, $3  }
0x3a: {  	_ = 	snop  }
0x3b: {  	_ = 	snop  }
0x3c: {  	p2 =	seq.s32 s10, $0x1;
	s10 =	sld [smem:$0x3FBA]  }
0x3d: {  	_ =	shalt  }
0x3e: {  	_ =	shalt  }
0x3f: {  	_ =	shalt  }
0x40: {  	_ =	shalt  }
0x41: {  	_ =	shalt  }
0x42: {  	_ =	shalt  }
0x43: {  	_ =	shalt  }
0x44: {  	_ =	shalt  }
0x45: {  	_ =	shalt  }
0x46: {  	_ =	shalt  }
0x47: {  	_ =	shalt  }
0x48: {  	_ =	shalt  }
0x49: {  	_ =	shalt  }
0x4a: {  	_ =	shalt  }
0x4b: {  	_ =	shalt  }
0x4c: {  	_ =	shalt  }
0x4d: {  	_ =	shalt  }
0x4e: {  	_ =	shalt  }
0x4f: {  	_ =	shalt  }
0x50: {  	_ =	shalt  }
0x51: {  	_ =	shalt  }
0x52: {  	_ =	shalt  }
0x53: {  	_ =	shalt  }
0x54: {  	_ =	shalt  }
0x55: {  	_ =	shalt  }
0x56: {  	_ =	shalt  }
0x57: {  	_ =	shalt  }
0x58: {  	_ =	shalt  }
0x59: {  	_ =	shalt  }
0x5a: {  	_ =	shalt  }
0x5b: {  	_ =	shalt  }
0x5c: {  	_ =	shalt  }
0x5d: {  	_ =	shalt  }
0x5e: {  	_ =	shalt  }
0x5f: {  	_ =	shalt  }
0x60: {  	_ =	shalt  }
0x61: {  	_ =	shalt  }
0x62: {  	_ =	shalt  }
0x63: {  	_ =	shalt  }
0x64: {  	_ =	shalt  }
0x65: {  	_ =	shalt  }
0x66: {  	_ =	shalt  }
0x67: {  	_ =	shalt  }
0x68: {  	_ =	shalt  }
0x69: {  	_ =	shalt  }
0x6a: {  	_ =	shalt  }
0x6b: {  	_ =	shalt  }
0x6c: {  	_ =	shalt  }
0x6d: {  	_ =	shalt  }
0x6e: {  	_ =	shalt  }
0x6f: {  	_ =	shalt  }
0x70: {  	_ =	shalt  }
0x71: {  	_ =	shalt  }
0x72: {  	_ =	shalt  }
0x73: {  	_ =	shalt  }
0x74: {  	_ =	shalt  }
0x75: {  	_ =	shalt  }
0x76: {  	_ =	shalt  }
0x77: {  	_ =	shalt  }
0x78: {  	_ =	shalt  }
0x79: {  	_ =	shalt  }
0x7a: {  	_ =	shalt  }
0x7b: {  	_ =	shalt  }
0x7c: {  	_ =	shalt  }
0x7d: {  	_ =	shalt  }
0x7e: {  	_ =	shalt  }
0x7f: {  	_ =	shalt  }
0x80: {  	_ =	shalt  }
0x81: {  	_ =	shalt  }
0x82: {  	_ =	shalt  }
0x83: {  	_ =	shalt  }
0x84: {  	_ =	shalt  }
0x85: {  	_ =	shalt  }
0x86: {  	_ =	shalt  }
0x87: {  	_ =	shalt  }
.Lfunc_end0:
.L_simem_size_0:
called_computation_lowered:
.L_overlay_start_0:
0x88: {  	s2 =	sld [smem:$0x3FD9]  }
0x89: {  	s3 =	sld [smem:$0x3FFE];
	_ =	sdelay $0x1  }
0x8a: {  	s1 =	srdreg.scid  }
0x8b: {  	s0 =	sand.u32 $0x1, s1  }
0x8c: {  	s14 =	sshll.u32 s0, $0xA;
	s2 =	sadd.s32 s3, s2  }
0x8d: {  	s2 =	sadd.s32 s2, s14  }
0x8e: {  	[smem:$0x3FC6] =	sst s2  }
0x8f: {  	_ = 	snop  }
0x90: {  	s2 =	sld [smem:$0x3FD0];
	_ =	sdelay $0x2  }
0x91: {  	s15 =	simm.s32 $0xA;
	s4 =	simm.s32 $0x10  }
0x92: {  	[smem:s4], [sflag:s15] =	dma.local [hbm:s2], $0x1  }
0x93: {  	_ =	swait.eq [sflag:s15], $0x1  }
0x94: {  	[sflag:s15] =	ssyncset.done $0x0  }
0x95: {  	s16 =	sld [smem:$0x10];
	[sflag:s15] =	ssyncadd.s32 $0xFFFFFFFF  }
0x96: {  	s17 =	sld [smem:$0x11];
	(tm) =	ssettm $0x1  }
0x97: {  	s18 =	sld [smem:$0x3FFB];
	_ =	sdelay $0x3  }
0x98: {  	_ =	strace s18  }
0x99: {  	s4 =	sld [smem:$0x3FFC];
	_ =	sdelay $0x3  }
0x9a: {  	_ =	strace s4  }
0x9b: {  	s4 =	sld [smem:$0x3FFD];
	_ =	sdelay $0x3  }
0x9c: {  	_ =	strace s4  }
0x9d: {  	_ =	strace $0x8FFFFFFF  }
0x9e: {  	s19 =	sld [smem:$0x3FDB];
	_ =	sdelay $0x1  }
0x9f: {  	s5 =	simm.s32 $_scs_section_size  }
0xa0: {  	s6 =	simm.s32 $_size__tile_overlayer_lowered;
	s7 =	simm.s32 $_tile_overlayer_lowered  }
0xa1: {  	s22 =	simm.s32 $0x1BFF;
	s21 =	sshll.u32 s7, $0x1;
	s4 =	sadd.s32 s5, s19  }
0xa2: {  	s8 =	simm.s32 $0x0;
	s20 =	sshll.u32 s6, $0x1;
	s6 =	sadd.s32 s21, s4  }
0xa3: {  	[timem:s8], [sflag:s22] =	dma.local [hbm:s6], s20  }
0xa4: {  	_ =	swait.ge [sflag:s22], s20  }
0xa5: {  	s5 =	ssub.s32 $0x0, s20;
	[sflag:s22] =	ssyncset.done $0x0  }
0xa6: {  	[sflag:s22] =	ssyncadd.s32 s5;
	_ =	sdelay $0x1  }
0xa7: {  	s23 =	simm.s32 $0x1B8B  }
0xa8: {  	_ =	swait.ge [sflag:s23], $0x1  }
0xa9: {  	[sflag:s23] =	ssyncset.done $0x0  }
0xaa: {  	s25 =	simm.s32 $0x1B8E;
	s24 =	sld [smem:$0x3FFE];
	[sflag:s23] =	ssyncadd.s32 $0xFFFFFFFF  }
0xab: {  	s26 =	simm.s32 $execute0_lowered;
	[smem:$0x3FD2] =	sst s25  }
0xac: {  	s6 =	sshll.u32 s26, $0x1;
	_ =	strace $0x80000046;
	[dreg:$0x1] =	wrdreg $0xFFFFFFFF  }
0xad: {  	s28 =	simm.s32 $_size_execute0_lowered;
	s4 =	sadd.s32 s4, s6;
	[dreg:$0x0] =	wrdreg $0x0  }
0xae: {  	s6 =	sshll.u32 s28, $0x1;
	[dreg:$0x2] =	wrdreg s4  }
0xaf: {  	[dreg:$0x3] =	wrdreg s6  }
0xb0: {  	[dreg:$0x4] =	wrdreg $0xC0  }
0xb1: {  	_ =	task [dreg:s8], $0x5FFFF  }
0xb2: {  	[dreg:$0x1] =	wrdreg $0xFFFFFFFF  }
0xb3: {  	[dreg:$0x0] =	wrdreg $0x60  }
0xb4: {  	[dreg:$0x2] =	wrdreg s16  }
0xb5: {  	[dreg:$0x3] =	wrdreg s17  }
0xb6: {  	[dreg:$0x4] =	wrdreg s24  }
0xb7: {  	[dreg:$0x5] =	wrdreg $0x9  }
0xb8: {  	_ =	task.clear_ibuf [dreg:s8], $0x6FFFF;
	_ =	strace $0x90000046  }
0xb9: {  	s29 =	simm.s32 $0x9;
	_ =	strace $0x80000048  }
0xba: {  	_ =	swait.ge [sflag:s29], $0x1  }
0xbb: {  	[sflag:s29] =	ssyncadd.s32 $0xFFFFFFFF  }
0xbc: {  	_ =	strace $0x90000048  }
0xbd: {  	_ =	sfence  }
0xbe: {  	s30 =	sld [smem:$0x0];
	_ =	sdelay $0x2  }
0xbf: {  	s31 =	sshll.u32 s1, $0xD;
	s1 =	sshrl.u32 s1, $0x2  }
0xc0: {  	s3 =	sand.u32 $0x4000, s31;
	s1 =	sadd.s32 s1, s30  }
0xc1: {  	s0 =	sor.u32 s3, s0;
	s1 =	sshll.u32 s1, $0x11  }
0xc2: {  	s0 =	sor.u32 s1, s0  }
0xc3: {  	s0 =	sadd.s32 $0x8F2B, s0  }
0xc4: {  	[sflag:s0] =	ssyncadd.remote.s32 $0x1  }
0xc5: {  	_ =	sfence.sel $0xFFFF  }
0xc6: {  	[dreg:$0x0] =	wrdreg $0xFFFFFFFF;
	(pc) =	sbr.abs _section_cstart, $3  }
0xc7: {  	[dreg:$0x1] =	wrdreg $0xFFFFFFFF  }
0xc8: {  	_ =	task.clear_ibuf [dreg:s8], $0x2FFFF;
	_ =	strace $0x9FFFFFFF  }
0xc9: {  	(tm) =	ssettm $0x7FFFFFFF  }
tec
execute0_lowered:
.L_overlay_start_1:
0x0: {  	(tag) =	ssettag $0x1  }
0x1: {  	s1 =	srdreg.scid;
	s2 =	rddreg [dreg:$0x0]  }
0x2: {  	s0 =	stileid.u32;
	s3 =	rddreg [dreg:$0x1]  }
0x3: {  	s4 =	rddreg [dreg:$0x2];
	s6 =	simm.s32 $0x1;
	s1 =	sshll.u32 s1, $0x6  }
0x4: {  	s9 =	simm.s32 $0x1;
	s5 =	sshll.u32 s0, $0x7;
	s1 =	sand.u32 $0x40, s1  }
0x5: {  	s10 =	simm.s32 $0x3;
	s13 =	simm.s32 $0x0;
	s5 =	sor.u32 s5, s1  }
0x6: {  	s12 =	simm.s32 $0x0;
	s1 =	rddreg [dreg:$0x3];
	s8 =	ssub.s32 $0x1000, s5  }
.Ltmp0:
0x7: {  	_ =	strace $0x80000047;
	s7 =	sand.u32 $0x7C0, s8;
	(pc) =	sbr.rel .LBB2_1-.Ltmp0, $4  }
0x8: {  	[sflag:s6] =	ssyncpa.u1 $0x0;
	s11 =	smov.u32 s5;
	p0 =	sne.s32 s7, $0x0  }
0x9: {  	s8 =	sshrl.u32 s8, $0xB;
	s7 =	simm.s32 $0x2;
	s9 =	simm.s32 @!p0 $0x0  }
0xa: {  	[sflag:s7] =	ssyncpa.u1 $0x0;
	p0 =	por $0x0, $0x0;
	s8 =	sadd.s32 s9, s8  }
0xb: {  	vm0 =	vmmov $0xffff;
	[sflag:s10] =	ssyncpa.u1 $0x0;
	s10 =	simm.s32 $0x0;
	s9 =	sadd.s32 $0x1, s8  }
.LBB2_4:
0xc: {  	vm1 =	veq.s32 v0, $0x80000000;
	v63 =	vand.u32 $0xFFF, v0;
	v2 =	vand.u32 $0x3F, v2  }
0xd: {  	v0 =	vsel vm1, $0xFFFFFFFF, v63;
	v2 =	vsel vm1, $0xFFFFFFFF, v2  }
0xe: {  	v3 =	vshll.u32 v2, $0xC;
	v4 =	vshll.u32 v0, $0x3  }
0xf: {  	v2 =	vshll.u32 v2, $0x7;
	v3 =	vand.u32 $0xFFFF8000, v3;
	v4 =	vand.u32 $0xFFFFFC00, v4  }
0x10: {  	v2 =	vand.u32 $0x380, v2;
	v3 =	vadd.s32 v4, v3  }
0x11: {  	v0 =	vand.u32 $0x7F, v0;
	v2 =	vor.u32 v2, v3  }
0x12: {  	v0 =	vor.u32 v0, v2;
	_ =	sdelay $0x1  }
0x13: {  	(ifvalue) =	ssetifvalue $0x7FFFFFFF;
	s14 =	sadd.s32 $0x10, s14  }
0x14: {  	[tilespmem:s14], [sflag:$0x1] =	stream.indirect_vreg.gather [hbm4b:s2+s10], $0x1, v1, vm0, $0x4038;
	[tilespmem:$0x100] =	vst v63  }
0x15: {  	(ifvalue) =	ssetifvalue $0x7FFFFFFF;
	s14 =	sadd.s32 $0x10, s14  }
0x16: {  	[tilespmem:s14], [sflag:$0x1] =	stream.indirect_vreg.gather [hbm4b:s2+s10], $0x1, v0, vm0, $0x4038;
	[tilespmem:$0x100] =	vst v63  }
0x17: {  	_ =	swait.ge [sflag:s6], $0x40  }
0x18: {  	s30 =	sshrl.u32 s13, $0x3;
	[sflag:s6] =	ssyncset.done $0x0  }
0x19: {  	s31 =	sand.u32 $0x7, s13;
	s14 =	sadd.s32 s4, s30;
	[sflag:s6] =	ssyncadd.s32 $0xFFFFFFC0  }
0x1a: {  	[hbm4b:s14+s31] =	stream.linear.scatter [tilespmem:s15], [sflag:$0x3], $0x40, $0x38;
	[tilespmem:$0x100] =	vst v63  }
.LBB2_5:
0x1b: {  	s15 =	sadd.s32 $0x800, s11  }
0x1c: {  	p2 =	sgt.s32 s15, $0xFFF  }
0x1d: {  	s15 =	smov.u32 @p2 s5;
	p2 =	sne.s32 s12, s9  }
.Ltmp1:
0x1e: {  	p1 =	slt.u32 s12, $0x2;
	(pc) =	sbr.rel @!p2 .LBB2_6-.Ltmp1, $4  }
0x1f: {  	s14 =	simm.s32 @!p1 $0x3  }
0x20: {  	s16 =	sadd.s32 $0x1, s12;
	_ =	swait.ge @!p1 [sflag:s14], $0x40  }
0x21: {  	s13 =	smov.u32 s11;
	p0 =	por !p0, !p0;
	[sflag:s14] =	ssyncset.done @!p1 $0x0  }
0x22: {  	s12 =	smov.u32 s16;
	s11 =	smov.u32 s15;
	[sflag:s14] =	ssyncadd.s32 @!p1 $0xFFFFFFC0  }
.LBB2_1:
0x23: {  	p1 =	sge.u32 s12, s8  }
0x24: {  	s14 =	sxor.u32 @!p1 $0xFFFFFFFF, s12  }
0x25: {  	s31 =	sadd.s32 $0xFFFFFFFF, s12;
	s15 =	sshrl.u32 @!p1 s11, $0x3;
	s14 =	sshll.u32 @!p1 s14, $0x6  }
0x26: {  	s16 =	sand.u32 @!p1 $0x7, s11;
	s15 =	sadd.s32 @!p1 s3, s15;
	s14 =	sand.u32 @!p1 $0x40, s14  }
0x27: {  	[tilespmem:s14], [sflag:$0x2] =	stream.linear.gather @!p1 [hbm4b:s15+s16], $0x40, $0x38;
	[tilespmem:$0x100] =	vst v63  }
0x28: {  	p1 =	sge.u32 s31, s8  }
.Ltmp2:
0x29: {  	_ = 	snop;
	(pc) =	sbr.rel @p1 .LBB2_5-.Ltmp2, $1  }
0x2a: {  	_ =	sdelay $0x3  }
0x2b: {  	s14 =	simm.s32 $0x1  }
0x2c: {  	_ =	swait.ge [sflag:s7], $0x40;
	s14 =	simm.s32 @!p0 $0x0  }
0x2d: {  	[sflag:s7] =	ssyncset.done $0x0;
	s14 =	sshll.u32 s14, $0x6  }
0x2e: {  	[sflag:s7] =	ssyncadd.s32 $0xFFFFFFC0;
	(ifvalue) =	ssetifvalue $0x7FFFFFFF;
	v0 =	vld.msk [tilespmem:s14+$0x0 ss:$0x1], $0xffff;
	_ =	sdelay $0x4  }
0x2f: {  	s15 =	sadd.s32 $0x10, s14;
	v1 =	vshrl.u32 v0, $0xC  }
0x30: {  	v2 =	vld.msk [tilespmem:s15+$0x0 ss:$0x1], $0xffff;
	vm1 =	veq.s32 v0, $0x80000000;
	v0 =	vand.u32 $0xFFF, v0;
	v1 =	vand.u32 $0x3F, v1  }
0x31: {  	v0 =	vsel vm1, $0xFFFFFFFF, v0;
	v1 =	vsel vm1, $0xFFFFFFFF, v1  }
0x32: {  	v4 =	vshll.u32 v0, $0x3;
	v3 =	vshll.u32 v1, $0xC  }
0x33: {  	v4 =	vand.u32 $0xFFFFFC00, v4;
	v1 =	vshll.u32 v1, $0x7;
	v3 =	vand.u32 $0xFFFF8000, v3  }
0x34: {  	v0 =	vand.u32 $0x7F, v0;
	v1 =	vand.u32 $0x380, v1;
	v3 =	vadd.s32 v4, v3  }
0x35: {  	vm1 =	veq.s32 v2, $0x80000000;
	v1 =	vor.u32 v1, v3;
	v3 =	vshrl.u32 v2, $0xC  }
0x36: {  	s17 =	sadd.s32 $0x10, s15;
	v2 =	vand.u32 $0xFFF, v2;
	v1 =	vor.u32 v0, v1;
	v3 =	vand.u32 $0x3F, v3  }
0x37: {  	v0 =	vld.msk [tilespmem:s17+$0x0 ss:$0x1], $0xffff;
	v2 =	vsel vm1, $0xFFFFFFFF, v2;
	v3 =	vsel vm1, $0xFFFFFFFF, v3  }
0x38: {  	v5 =	vshll.u32 v2, $0x3;
	v63 =	vshll.u32 v3, $0xC  }
0x39: {  	s31 =	sshll.u32 s12, $0x6;
	v5 =	vand.u32 $0xFFFFFC00, v5;
	v3 =	vshll.u32 v3, $0x7;
	v4 =	vand.u32 $0xFFFF8000, v63  }
0x3a: {  	s14 =	sor.u32 $0x80, s14;
	s15 =	sand.u32 $0x40, s31;
	(ifvalue) =	ssetifvalue $0x7FFFFFFF;
	v3 =	vand.u32 $0x380, v3;
	v4 =	vadd.s32 v5, v4  }
0x3b: {  	[tilespmem:s14], [sflag:$0x1] =	stream.indirect_vreg.gather [hbm4b:s2+s10], $0x1, v1, vm0, $0x4038;
	v1 =	vand.u32 $0x7F, v2;
	v3 =	vor.u32 v3, v4;
	[tilespmem:$0x100] =	vst v63  }
0x3c: {  	s16 =	simm.s32 $0x20;
	s15 =	sor.u32 $0x80, s15;
	s17 =	sadd.s32 $0x10, s17;
	v2 =	vshrl.u32 v0, $0xC;
	v1 =	vor.u32 v1, v3  }
.LBB2_3:
0x3d: {  	s16 =	sadd.s32 $0x10, s16;
	vm1 =	veq.s32 v0, $0x80000000;
	v3 =	vand.u32 $0xFFF, v0;
	v0 =	vld.msk [tilespmem:s17+$0x0 ss:$0x1], $0xffff;
	v2 =	vand.u32 $0x3F, v2  }
0x3e: {  	p1 =	slt.u32 s16, $0x30;
	v3 =	vsel vm1, $0xFFFFFFFF, v3;
	v2 =	vsel vm1, $0xFFFFFFFF, v2  }
.Ltmp3:
0x3f: {  	v4 =	vshll.u32 v2, $0xC;
	v5 =	vshll.u32 v3, $0x3;
	(pc) =	sbr.rel @p1 .LBB2_3-.Ltmp3, $4  }
0x40: {  	s14 =	sadd.s32 $0x10, s14;
	v2 =	vshll.u32 v2, $0x7;
	v4 =	vand.u32 $0xFFFF8000, v4;
	v5 =	vand.u32 $0xFFFFFC00, v5;
	(ifvalue) =	ssetifvalue $0x7FFFFFFF  }
0x41: {  	v2 =	vand.u32 $0x380, v2;
	v4 =	vadd.s32 v5, v4;
	[tilespmem:s14], [sflag:$0x1] =	stream.indirect_vreg.gather [hbm4b:s2+s10], $0x1, v1, vm0, $0x4038;
	[tilespmem:$0x100] =	vst v63  }
0x42: {  	v1 =	vand.u32 $0x7F, v3;
	v3 =	vor.u32 v2, v4  }
0x43: {  	s17 =	sadd.s32 $0x10, s17;
	v2 =	vshrl.u32 v0, $0xC;
	v1 =	vor.u32 v1, v3  }
.Ltmp4:
0x44: {  	_ = 	snop;
	(pc) =	sbr.rel .LBB2_4-.Ltmp4, $1  }
0x45: {  	_ =	sdelay $0x3  }
.LBB2_6:
0x46: {  	_ =	sfence.sel $0x180000  }
0x47: {  	s2 =	simm.s32 $0x2;
	[bflag:$0x0] =	sbarrier.arrive $0xFFFF  }
0x48: {  	s30 =	simm.s32 $0x3;
	[sflag:s2] =	ssyncpa.u1 $0x1  }
0x49: {  	s31 =	simm.s32 $0x1;
	[sflag:s30] =	ssyncpa.u1 $0x1  }
0x4a: {  	[sflag:s31] =	ssyncpa.u1 $0x1  }
0x4b: {  	p0 =	sne.s32 s0, $0x0;
	_ =	strace $0x90000047  }
0x4c: {  	s0 =	sadd.s32 @!p0 $0x100000, s1;
	[bflag:$0x2] =	sbarrier.arrive $0xFFFF  }
0x4d: {  	[sflag:s0] =	ssyncadd.tile.s32 @!p0 $0x1;
	_ =	shalt  }
.Lfunc_end2:
_tile_overlayer_lowered:
.L_overlay_start_2:
0x4e: {  	(tag) =	ssettag $0x2  }
0x4f: {  	s0 =	rddreg [dreg:$0x0];
	s2 =	stileid.u32  }
0x50: {  	s1 =	rddreg [dreg:$0x1];
	p0 =	sne.s32 s2, $0x0  }
0x51: {  	s3 =	rddreg [dreg:$0x2];
	[bflag:$0x3] =	sbarrier.arrive $0xFFFF;
	s2 =	simm.s32 @!p0 $0x1C01  }
0x52: {  	[timem:s3], [sflag:s2] =	dma.local @!p0 [hbm:s0], s1  }
0x53: {  	s0 =	simm.s32 @!p0 $0x1  }
0x54: {  	_ =	swait.ge @!p0 [sflag:s0], s1  }
0x55: {  	s1 =	ssub.s32 @!p0 $0x0, s1;
	[sflag:s0] =	ssyncset.done @!p0 $0x0  }
0x56: {  	[sflag:s0] =	ssyncadd.s32 @!p0 s1  }
0x57: {  	[bflag:$0x3] =	sbarrier.arrive $0xFFFF  }
0x58: {  	_ =	shalt  }

</sc_bundles>
